<compile_context>
chip_gen: v7x
topology: tpu7x:2x2x1
jax: 0.10.2.dev20260603
libtpu: 0.0.44.dev20260713+nightly
codegen_flags: <defaults>
</compile_context>

<pallas_src>
import functools

import jax
import jax.numpy as jnp
from jax import lax
from jax.experimental import pallas as pl
from jax.experimental.pallas import tpu as pltpu
from jax.experimental.pallas import tpu_sc as plsc

_N = 10000
_E = 160000
_D = 256
_D3 = 3 * _D

_NC, _NS, _L = 2, 16, 16
_NW = _NC * _NS
_EW = _E // _NW
_KA = 40
_NBA = _EW // _KA

def _phase_a_body(y_hbm, pi_hbm, pj_hbm, dif_hbm, i1_hbm, ix_hbm,
                  idxi_v, idxj_v, yi_v, yj_v, i1_v, dif_v, out_v, sem):
    cid = lax.axis_index("c")
    sid = lax.axis_index("s")
    wid = sid * _NC + cid
    base0 = wid * _EW

    def block(b, carry):
        base = base0 + b * _KA
        pltpu.sync_copy(pi_hbm.at[pl.ds(base, _KA)], idxi_v)
        pltpu.sync_copy(pj_hbm.at[pl.ds(base, _KA)], idxj_v)
        pltpu.sync_copy(i1_hbm.at[pl.ds(base, _KA)], i1_v)
        pltpu.sync_copy(dif_hbm.at[pl.ds(base, _KA)], dif_v)
        pltpu.async_copy(y_hbm.at[idxi_v], yi_v, sem).wait()
        pltpu.async_copy(y_hbm.at[idxj_v], yj_v, sem).wait()

        def edge(k, c2):
            dbc = [dif_v[k, pl.ds(c3 * _L, _L)] for c3 in range(3)]
            for v in range(_D // _L):
                i1v = i1_v[k, pl.ds(v * _L, _L)]
                for c3 in range(3):
                    off = c3 * _D + v * _L
                    g = yi_v[k, pl.ds(off, _L)] + yj_v[k, pl.ds(off, _L)]
                    out_v[k, pl.ds(off, _L)] = (g + dbc[c3]) * i1v
            return c2

        lax.fori_loop(0, _KA, edge, 0)
        pltpu.sync_copy(out_v, ix_hbm.at[pl.ds(base, _KA)])
        return carry

    lax.fori_loop(0, _NBA, block, 0)


@functools.lru_cache(maxsize=None)
def _get_phase_a():
    mesh = plsc.VectorSubcoreMesh(
        core_axis_name="c", subcore_axis_name="s",
        num_cores=_NC, num_subcores=_NS)
    return pl.kernel(
        _phase_a_body,
        out_type=jax.ShapeDtypeStruct((_E, _D3), jnp.float32),
        mesh=mesh,
        scratch_types=[
            pltpu.VMEM((_KA,), jnp.int32),
            pltpu.VMEM((_KA,), jnp.int32),
            pltpu.VMEM((_KA, _D3), jnp.float32),
            pltpu.VMEM((_KA, _D3), jnp.float32),
            pltpu.VMEM((_KA, _D), jnp.float32),
            pltpu.VMEM((_KA, 3 * _L), jnp.float32),
            pltpu.VMEM((_KA, _D3), jnp.float32),
            pltpu.SemaphoreType.DMA,
        ],
    )


_BE = 640
_NBK = _E // _BE


def _scat_body(pi_ref, ix_ref, o_ref):
    @pl.when(pl.program_id(0) == 0)
    def _():
        o_ref[...] = jnp.zeros_like(o_ref)

    def edge8(g, c):
        base = pl.multiple_of(24 * g, 8)
        blk = ix_ref[pl.ds(base, 24), :]
        for j in range(8):
            idx = pi_ref[0, 0, 8 * g + j]
            off = pl.multiple_of(8 * idx, 8)
            o_ref[pl.ds(off, 3), :] = (
                o_ref[pl.ds(off, 3), :] + blk[3 * j:3 * j + 3, :])
        return c

    lax.fori_loop(0, _BE // 8, edge8, 0)


def _scatter_tc(ix2, pair_i):
    pi3 = pair_i.reshape(_NBK, 1, _BE)
    halves = []
    for h in range(2):
        halves.append(pl.pallas_call(
            _scat_body,
            grid=(_NBK,),
            in_specs=[
                pl.BlockSpec((1, 1, _BE), lambda i: (i, 0, 0),
                             memory_space=pltpu.SMEM),
                pl.BlockSpec((3 * _BE, _D // 2),
                             lambda i, h=h: (i, h)),
            ],
            out_specs=pl.BlockSpec((_N * 8, _D // 2), lambda i: (0, 0)),
            out_shape=jax.ShapeDtypeStruct((_N * 8, _D // 2), jnp.float32),
            compiler_params=pltpu.CompilerParams(
                vmem_limit_bytes=60 * 1024 * 1024),
        )(pi3, ix2))
    return halves


def _mm_body(x_ref, w_ref, o_ref):
    o_ref[...] = lax.dot_general(
        x_ref[...], w_ref[...], (((1,), (1,)), ((), ())),
        preferred_element_type=jnp.float32)


def _mm_t(x2d, w):
    R, D = x2d.shape
    BR = 3000
    return pl.pallas_call(
        _mm_body,
        grid=(R // BR,),
        in_specs=[
            pl.BlockSpec((BR, D), lambda i: (i, 0)),
            pl.BlockSpec((D, D), lambda i: (0, 0)),
        ],
        out_specs=pl.BlockSpec((BR, D), lambda i: (i, 0)),
        out_shape=jax.ShapeDtypeStruct((R, D), jnp.float32),
    )(x2d, w)


def kernel(px, pair_i, pair_j, diff, i1, W_pi, W_pp):
    y = _mm_t(px.reshape(_N * 3, _D), W_pi).reshape(_N, _D3)
    difp = jnp.broadcast_to(diff[:, :, None], (_E, 3, _L)).reshape(_E, 3 * _L)
    i1_2d = i1.reshape(_E, _D)
    ix = _get_phase_a()(y, pair_i, pair_j, difp, i1_2d)
    h0, h1 = _scatter_tc(ix.reshape(_E * 3, _D), pair_i)
    acc = jnp.concatenate(
        [h0.reshape(_N, 8, _D // 2)[:, :3, :],
         h1.reshape(_N, 8, _D // 2)[:, :3, :]], axis=2).reshape(_N * 3, _D)
    px_new = _mm_t(acc, W_pp).reshape(_N, 3, _D)
    return (px_new, ix.reshape(_E, 3, _D))

# --- scband reference (transcript-rebuilt; emitter-appended) ---
"""Pipeline reference for scband-eqvar-layer-558345748930 (READ-ONLY COPY).

The authoritative reference and input builder live on the scoring server;
editing this copy changes nothing except your own understanding.
"""

import jax, jax.numpy as jnp
import numpy as np

N = 10000
E = 160000
D = 256

def setup_inputs(seed: int = 0) -> dict:
    key = jax.random.key(seed)
    ks = jax.random.split(key, 7)
    px = jax.random.normal(ks[0], (N, 3, D), dtype=jnp.float32)
    pair_i = jax.random.randint(ks[1], (E,), 0, N, dtype=jnp.int32)
    pair_j = jax.random.randint(ks[2], (E,), 0, N, dtype=jnp.int32)
    diff = jax.random.normal(ks[3], (E, 3), dtype=jnp.float32)
    i1 = jax.random.normal(ks[4], (E, 1, D), dtype=jnp.float32)
    W_pi = jax.random.normal(ks[5], (D, D), dtype=jnp.float32) / jnp.sqrt(D)
    W_pp = jax.random.normal(ks[6], (D, D), dtype=jnp.float32) / jnp.sqrt(D)
    return {"px": px, "pair_i": pair_i, "pair_j": pair_j, "diff": diff, "i1": i1, "W_pi": W_pi, "W_pp": W_pp}

def reference(px, pair_i, pair_j, diff, i1, W_pi, W_pp):
    # PIXLayer: gather endpoints, sum, linear (no bias)
    px_i = jnp.take(px, pair_i, axis=0)
    px_j = jnp.take(px, pair_j, axis=0)
    ix = (px_i + px_j) @ W_pi.T            # [E, 3, D]
    # ScaleLayer on per-edge invariant features
    ix = ix * i1                            # [E,3,D] * [E,1,D]
    scaled_diff = diff[..., None] * i1      # [E,3,1] * [E,1,D] -> [E,3,D]
    ix = ix + scaled_diff
    # IPLayer: scatter-add edges back to destination nodes
    px_new = jnp.zeros_like(px).at[pair_i].add(ix)
    # pp_layer: linear (no bias)
    px_new = px_new @ W_pp.T
    return (px_new, ix)

if __name__ == "__main__":
    import jax
    _d = setup_inputs()
    print(jax.jit(kernel)(*tuple(_d.values())))

</pallas_src>

<mosaic_0001>
#map = affine_map<(d0, d1) -> (0, 0)>
#map1 = affine_map<(d0, d1) -> (0)>
module attributes {stable_mosaic.version = 14 : i64} {
  func.func @_phase_a_body(%arg0: i32, %arg1: i32, %arg2: memref<10000x768xf32, #tpu.memory_space<hbm>>, %arg3: memref<160000xi32, #tpu.memory_space<hbm>>, %arg4: memref<160000xi32, #tpu.memory_space<hbm>>, %arg5: memref<160000x48xf32, #tpu.memory_space<hbm>>, %arg6: memref<160000x256xf32, #tpu.memory_space<hbm>>, %arg7: memref<160000x768xf32, #tpu.memory_space<hbm>>, %arg8: memref<40xi32, #tpu.memory_space<vmem>>, %arg9: memref<40xi32, #tpu.memory_space<vmem>>, %arg10: memref<40x768xf32, #tpu.memory_space<vmem>>, %arg11: memref<40x768xf32, #tpu.memory_space<vmem>>, %arg12: memref<40x256xf32, #tpu.memory_space<vmem>>, %arg13: memref<40x48xf32, #tpu.memory_space<vmem>>, %arg14: memref<40x768xf32, #tpu.memory_space<vmem>>, %arg15: memref<!tpu.dma_semaphore, #tpu.memory_space<semaphore_mem>>) attributes {dimension_semantics = [#tpu.dimension_semantics<core_parallel>, #tpu.dimension_semantics<subcore_parallel>], iteration_bounds = array<i64: 2, 16>, scalar_prefetch = 0 : i64, scratch_operands = 8 : i64, tpu.core_type = #tpu.core_type<sc_vector_subcore>, window_params = [{transform_indices = #map}, {transform_indices = #map1}, {transform_indices = #map1}, {transform_indices = #map}, {transform_indices = #map}, {transform_indices = #map}]} {
    %mul3A = arith.constant 2 : i32
    %mul3A_0 = arith.muli %arg1, %mul3A : i32
    %add3A = arith.addi %mul3A_0, %arg0 : i32
    %mul3A_1 = arith.constant 5000 : i32
    %mul3A_2 = arith.muli %add3A, %mul3A_1 : i32
    %scan3A = arith.constant 0 : i32
    %scan3A_3 = arith.constant 0 : i32
    %scan3A_4 = arith.constant 125 : i32
    %scan3A_5 = arith.addi %scan3A_3, %scan3A_4 : i32
    %scan3A_6 = arith.constant 1 : i32
    scf.for %scan3A_8 = %scan3A_3 to %scan3A_5 step %scan3A_6  : i32 {
      %mul3A_9 = arith.constant 40 : i32
      %mul3A_10 = arith.muli %scan3A_8, %mul3A_9 : i32
      %add3A_11 = arith.addi %mul3A_2, %mul3A_10 : i32
      "tpu.region"() ({
        %run_scoped3A = tpu.sem_alloc : memref<!tpu.dma_semaphore, #tpu.memory_space<semaphore_mem>>
        %dma_start3A_28 = tpu.memref_slice %arg3[%add3A_11] : memref<160000xi32, #tpu.memory_space<hbm>> -> memref<40xi32, #tpu.memory_space<hbm>>
        %dma_start3A_29 = tpu.memref_slice %arg3[%add3A_11] : memref<160000xi32, #tpu.memory_space<hbm>> -> memref<40xi32, #tpu.memory_space<hbm>>
        tpu.enqueue_dma source(%dma_start3A_29 : memref<40xi32, #tpu.memory_space<hbm>>) target(%arg8 : memref<40xi32, #tpu.memory_space<vmem>>) target_semaphore(%run_scoped3A : memref<!tpu.dma_semaphore, #tpu.memory_space<semaphore_mem>>)
        %dma_wait3A_30 = tpu.memref_slice %arg3[%add3A_11] : memref<160000xi32, #tpu.memory_space<hbm>> -> memref<40xi32, #tpu.memory_space<hbm>>
        %dma_wait3A_31 = tpu.memref_slice %arg3[%add3A_11] : memref<160000xi32, #tpu.memory_space<hbm>> -> memref<40xi32, #tpu.memory_space<hbm>>
        tpu.wait_dma2 semaphore(%run_scoped3A : memref<!tpu.dma_semaphore, #tpu.memory_space<semaphore_mem>>) src(%dma_wait3A_31 : memref<40xi32, #tpu.memory_space<hbm>>) dst(%arg8 : memref<40xi32, #tpu.memory_space<vmem>>)
        tpu.yield
      }) : () -> ()
      "tpu.region"() ({
        %run_scoped3A = tpu.sem_alloc : memref<!tpu.dma_semaphore, #tpu.memory_space<semaphore_mem>>
        %dma_start3A_28 = tpu.memref_slice %arg4[%add3A_11] : memref<160000xi32, #tpu.memory_space<hbm>> -> memref<40xi32, #tpu.memory_space<hbm>>
        %dma_start3A_29 = tpu.memref_slice %arg4[%add3A_11] : memref<160000xi32, #tpu.memory_space<hbm>> -> memref<40xi32, #tpu.memory_space<hbm>>
        tpu.enqueue_dma source(%dma_start3A_29 : memref<40xi32, #tpu.memory_space<hbm>>) target(%arg9 : memref<40xi32, #tpu.memory_space<vmem>>) target_semaphore(%run_scoped3A : memref<!tpu.dma_semaphore, #tpu.memory_space<semaphore_mem>>)
        %dma_wait3A_30 = tpu.memref_slice %arg4[%add3A_11] : memref<160000xi32, #tpu.memory_space<hbm>> -> memref<40xi32, #tpu.memory_space<hbm>>
        %dma_wait3A_31 = tpu.memref_slice %arg4[%add3A_11] : memref<160000xi32, #tpu.memory_space<hbm>> -> memref<40xi32, #tpu.memory_space<hbm>>
        tpu.wait_dma2 semaphore(%run_scoped3A : memref<!tpu.dma_semaphore, #tpu.memory_space<semaphore_mem>>) src(%dma_wait3A_31 : memref<40xi32, #tpu.memory_space<hbm>>) dst(%arg9 : memref<40xi32, #tpu.memory_space<vmem>>)
        tpu.yield
      }) : () -> ()
      "tpu.region"() ({
        %run_scoped3A = tpu.sem_alloc : memref<!tpu.dma_semaphore, #tpu.memory_space<semaphore_mem>>
        %dma_start3A_28 = arith.constant 0 : i32
        %dma_start3A_29 = tpu.memref_slice %arg6[%add3A_11, %dma_start3A_28] : memref<160000x256xf32, #tpu.memory_space<hbm>> -> memref<40x256xf32, #tpu.memory_space<hbm>>
        %dma_start3A_30 = arith.constant 0 : i32
        %dma_start3A_31 = tpu.memref_slice %arg6[%add3A_11, %dma_start3A_30] : memref<160000x256xf32, #tpu.memory_space<hbm>> -> memref<40x256xf32, #tpu.memory_space<hbm>>
        tpu.enqueue_dma source(%dma_start3A_31 : memref<40x256xf32, #tpu.memory_space<hbm>>) target(%arg12 : memref<40x256xf32, #tpu.memory_space<vmem>>) target_semaphore(%run_scoped3A : memref<!tpu.dma_semaphore, #tpu.memory_space<semaphore_mem>>)
        %dma_wait3A_32 = arith.constant 0 : i32
        %dma_wait3A_33 = tpu.memref_slice %arg6[%add3A_11, %dma_wait3A_32] : memref<160000x256xf32, #tpu.memory_space<hbm>> -> memref<40x256xf32, #tpu.memory_space<hbm>>
        %dma_wait3A_34 = arith.constant 0 : i32
        %dma_wait3A_35 = tpu.memref_slice %arg6[%add3A_11, %dma_wait3A_34] : memref<160000x256xf32, #tpu.memory_space<hbm>> -> memref<40x256xf32, #tpu.memory_space<hbm>>
        tpu.wait_dma2 semaphore(%run_scoped3A : memref<!tpu.dma_semaphore, #tpu.memory_space<semaphore_mem>>) src(%dma_wait3A_35 : memref<40x256xf32, #tpu.memory_space<hbm>>) dst(%arg12 : memref<40x256xf32, #tpu.memory_space<vmem>>)
        tpu.yield
      }) : () -> ()
      "tpu.region"() ({
        %run_scoped3A = tpu.sem_alloc : memref<!tpu.dma_semaphore, #tpu.memory_space<semaphore_mem>>
        %dma_start3A_28 = arith.constant 0 : i32
        %dma_start3A_29 = tpu.memref_slice %arg5[%add3A_11, %dma_start3A_28] : memref<160000x48xf32, #tpu.memory_space<hbm>> -> memref<40x48xf32, #tpu.memory_space<hbm>>
        %dma_start3A_30 = arith.constant 0 : i32
        %dma_start3A_31 = tpu.memref_slice %arg5[%add3A_11, %dma_start3A_30] : memref<160000x48xf32, #tpu.memory_space<hbm>> -> memref<40x48xf32, #tpu.memory_space<hbm>>
        tpu.enqueue_dma source(%dma_start3A_31 : memref<40x48xf32, #tpu.memory_space<hbm>>) target(%arg13 : memref<40x48xf32, #tpu.memory_space<vmem>>) target_semaphore(%run_scoped3A : memref<!tpu.dma_semaphore, #tpu.memory_space<semaphore_mem>>)
        %dma_wait3A_32 = arith.constant 0 : i32
        %dma_wait3A_33 = tpu.memref_slice %arg5[%add3A_11, %dma_wait3A_32] : memref<160000x48xf32, #tpu.memory_space<hbm>> -> memref<40x48xf32, #tpu.memory_space<hbm>>
        %dma_wait3A_34 = arith.constant 0 : i32
        %dma_wait3A_35 = tpu.memref_slice %arg5[%add3A_11, %dma_wait3A_34] : memref<160000x48xf32, #tpu.memory_space<hbm>> -> memref<40x48xf32, #tpu.memory_space<hbm>>
        tpu.wait_dma2 semaphore(%run_scoped3A : memref<!tpu.dma_semaphore, #tpu.memory_space<semaphore_mem>>) src(%dma_wait3A_35 : memref<40x48xf32, #tpu.memory_space<hbm>>) dst(%arg13 : memref<40x48xf32, #tpu.memory_space<vmem>>)
        tpu.yield
      }) : () -> ()
      %dma_start3A = arith.constant 0 : i32
      %dma_start3A_12 = arith.constant 0 : i32
      %dma_start3A_13 = tpu.memref_slice %arg2[%dma_start3A, %dma_start3A_12] : memref<10000x768xf32, #tpu.memory_space<hbm>> -> memref<10000x768xf32, #tpu.memory_space<hbm>>
      tpu.enqueue_indirect_dma source(%dma_start3A_13 : memref<10000x768xf32, #tpu.memory_space<hbm>>) target(%arg10 : memref<40x768xf32, #tpu.memory_space<vmem>>) offsets(%arg8 : memref<40xi32, #tpu.memory_space<vmem>>) semaphore(%arg15 : memref<!tpu.dma_semaphore, #tpu.memory_space<semaphore_mem>>)
      %dma_wait3A = arith.constant 0 : i32
      %dma_wait3A_14 = arith.constant 0 : i32
      %dma_wait3A_15 = tpu.memref_slice %arg2[%dma_wait3A, %dma_wait3A_14] : memref<10000x768xf32, #tpu.memory_space<hbm>> -> memref<10000x768xf32, #tpu.memory_space<hbm>>
      tpu.wait_indirect_dma semaphore(%arg15 : memref<!tpu.dma_semaphore, #tpu.memory_space<semaphore_mem>>) src(%dma_wait3A_15 : memref<10000x768xf32, #tpu.memory_space<hbm>>) dst(%arg10 : memref<40x768xf32, #tpu.memory_space<vmem>>)
      %dma_start3A_16 = arith.constant 0 : i32
      %dma_start3A_17 = arith.constant 0 : i32
      %dma_start3A_18 = tpu.memref_slice %arg2[%dma_start3A_16, %dma_start3A_17] : memref<10000x768xf32, #tpu.memory_space<hbm>> -> memref<10000x768xf32, #tpu.memory_space<hbm>>
      tpu.enqueue_indirect_dma source(%dma_start3A_18 : memref<10000x768xf32, #tpu.memory_space<hbm>>) target(%arg11 : memref<40x768xf32, #tpu.memory_space<vmem>>) offsets(%arg9 : memref<40xi32, #tpu.memory_space<vmem>>) semaphore(%arg15 : memref<!tpu.dma_semaphore, #tpu.memory_space<semaphore_mem>>)
      %dma_wait3A_19 = arith.constant 0 : i32
      %dma_wait3A_20 = arith.constant 0 : i32
      %dma_wait3A_21 = tpu.memref_slice %arg2[%dma_wait3A_19, %dma_wait3A_20] : memref<10000x768xf32, #tpu.memory_space<hbm>> -> memref<10000x768xf32, #tpu.memory_space<hbm>>
      tpu.wait_indirect_dma semaphore(%arg15 : memref<!tpu.dma_semaphore, #tpu.memory_space<semaphore_mem>>) src(%dma_wait3A_21 : memref<10000x768xf32, #tpu.memory_space<hbm>>) dst(%arg11 : memref<40x768xf32, #tpu.memory_space<vmem>>)
      %scan3A_22 = arith.constant 0 : i32
      %scan3A_23 = arith.constant 0 : i32
      %scan3A_24 = arith.constant 40 : i32
      %scan3A_25 = arith.addi %scan3A_23, %scan3A_24 : i32
      %scan3A_26 = arith.constant 1 : i32
      scf.for %scan3A_28 = %scan3A_23 to %scan3A_25 step %scan3A_26  : i32 {
        %get3A = arith.index_cast %scan3A_28 : i32 to index
        %get3A_29 = arith.constant 0 : index
        %get3A_30 = tpu.vector_load %arg13[%get3A, %get3A_29] {strides = array<i32>} : memref<40x48xf32, #tpu.memory_space<vmem>>, vector<1x16xf32>,
        %get3A_31 = vector.shape_cast %get3A_30 : vector<1x16xf32> to vector<16xf32>
        %get3A_32 = arith.index_cast %scan3A_28 : i32 to index
        %get3A_33 = arith.constant 16 : index
        %get3A_34 = tpu.vector_load %arg13[%get3A_32, %get3A_33] {strides = array<i32>} : memref<40x48xf32, #tpu.memory_space<vmem>>, vector<1x16xf32>,
        %get3A_35 = vector.shape_cast %get3A_34 : vector<1x16xf32> to vector<16xf32>
        %get3A_36 = arith.index_cast %scan3A_28 : i32 to index
        %get3A_37 = arith.constant 32 : index
        %get3A_38 = tpu.vector_load %arg13[%get3A_36, %get3A_37] {strides = array<i32>} : memref<40x48xf32, #tpu.memory_space<vmem>>, vector<1x16xf32>,
        %get3A_39 = vector.shape_cast %get3A_38 : vector<1x16xf32> to vector<16xf32>
        %get3A_40 = arith.index_cast %scan3A_28 : i32 to index
        %get3A_41 = arith.constant 0 : index
        %get3A_42 = tpu.vector_load %arg12[%get3A_40, %get3A_41] {strides = array<i32>} : memref<40x256xf32, #tpu.memory_space<vmem>>, vector<1x16xf32>,
        %get3A_43 = vector.shape_cast %get3A_42 : vector<1x16xf32> to vector<16xf32>
        %get3A_44 = arith.index_cast %scan3A_28 : i32 to index
        %get3A_45 = arith.constant 0 : index
        %get3A_46 = tpu.vector_load %arg10[%get3A_44, %get3A_45] {strides = array<i32>} : memref<40x768xf32, #tpu.memory_space<vmem>>, vector<1x16xf32>,
        %get3A_47 = vector.shape_cast %get3A_46 : vector<1x16xf32> to vector<16xf32>
        %get3A_48 = arith.index_cast %scan3A_28 : i32 to index
        %get3A_49 = arith.constant 0 : index
        %get3A_50 = tpu.vector_load %arg11[%get3A_48, %get3A_49] {strides = array<i32>} : memref<40x768xf32, #tpu.memory_space<vmem>>, vector<1x16xf32>,
        %get3A_51 = vector.shape_cast %get3A_50 : vector<1x16xf32> to vector<16xf32>
        %add3A_52 = arith.addf %get3A_47, %get3A_51 : vector<16xf32>
        %add3A_53 = arith.addf %add3A_52, %get3A_31 : vector<16xf32>
        %mul3A_54 = arith.mulf %add3A_53, %get3A_43 : vector<16xf32>
        %swap3A = arith.index_cast %scan3A_28 : i32 to index
        %swap3A_55 = arith.constant 0 : index
        %swap3A_56 = tpu.vector_load %arg14[%swap3A, %swap3A_55] {strides = array<i32>} : memref<40x768xf32, #tpu.memory_space<vmem>>, vector<1x16xf32>,
        %swap3A_57 = vector.shape_cast %swap3A_56 : vector<1x16xf32> to vector<16xf32>
        %swap3A_58 = vector.shape_cast %mul3A_54 : vector<16xf32> to vector<1x16xf32>
        tpu.vector_store %arg14[%swap3A, %swap3A_55], %swap3A_58 {strides = array<i32>} : memref<40x768xf32, #tpu.memory_space<vmem>>, vector<1x16xf32>,
        %get3A_59 = arith.index_cast %scan3A_28 : i32 to index
        %get3A_60 = arith.constant 256 : index
        %get3A_61 = tpu.vector_load %arg10[%get3A_59, %get3A_60] {strides = array<i32>} : memref<40x768xf32, #tpu.memory_space<vmem>>, vector<1x16xf32>,
        %get3A_62 = vector.shape_cast %get3A_61 : vector<1x16xf32> to vector<16xf32>
        %get3A_63 = arith.index_cast %scan3A_28 : i32 to index
        %get3A_64 = arith.constant 256 : index
        %get3A_65 = tpu.vector_load %arg11[%get3A_63, %get3A_64] {strides = array<i32>} : memref<40x768xf32, #tpu.memory_space<vmem>>, vector<1x16xf32>,
        %get3A_66 = vector.shape_cast %get3A_65 : vector<1x16xf32> to vector<16xf32>
        %add3A_67 = arith.addf %get3A_62, %get3A_66 : vector<16xf32>
        %add3A_68 = arith.addf %add3A_67, %get3A_35 : vector<16xf32>
        %mul3A_69 = arith.mulf %add3A_68, %get3A_43 : vector<16xf32>
        %swap3A_70 = arith.index_cast %scan3A_28 : i32 to index
        %swap3A_71 = arith.constant 256 : index
        %swap3A_72 = tpu.vector_load %arg14[%swap3A_70, %swap3A_71] {strides = array<i32>} : memref<40x768xf32, #tpu.memory_space<vmem>>, vector<1x16xf32>,
        %swap3A_73 = vector.shape_cast %swap3A_72 : vector<1x16xf32> to vector<16xf32>
        %swap3A_74 = vector.shape_cast %mul3A_69 : vector<16xf32> to vector<1x16xf32>
        tpu.vector_store %arg14[%swap3A_70, %swap3A_71], %swap3A_74 {strides = array<i32>} : memref<40x768xf32, #tpu.memory_space<vmem>>, vector<1x16xf32>,
        %get3A_75 = arith.index_cast %scan3A_28 : i32 to index
        %get3A_76 = arith.constant 512 : index
        %get3A_77 = tpu.vector_load %arg10[%get3A_75, %get3A_76] {strides = array<i32>} : memref<40x768xf32, #tpu.memory_space<vmem>>, vector<1x16xf32>,
        %get3A_78 = vector.shape_cast %get3A_77 : vector<1x16xf32> to vector<16xf32>
        %get3A_79 = arith.index_cast %scan3A_28 : i32 to index
        %get3A_80 = arith.constant 512 : index
        %get3A_81 = tpu.vector_load %arg11[%get3A_79, %get3A_80] {strides = array<i32>} : memref<40x768xf32, #tpu.memory_space<vmem>>, vector<1x16xf32>,
        %get3A_82 = vector.shape_cast %get3A_81 : vector<1x16xf32> to vector<16xf32>
        %add3A_83 = arith.addf %get3A_78, %get3A_82 : vector<16xf32>
        %add3A_84 = arith.addf %add3A_83, %get3A_39 : vector<16xf32>
        %mul3A_85 = arith.mulf %add3A_84, %get3A_43 : vector<16xf32>
        %swap3A_86 = arith.index_cast %scan3A_28 : i32 to index
        %swap3A_87 = arith.constant 512 : index
        %swap3A_88 = tpu.vector_load %arg14[%swap3A_86, %swap3A_87] {strides = array<i32>} : memref<40x768xf32, #tpu.memory_space<vmem>>, vector<1x16xf32>,
        %swap3A_89 = vector.shape_cast %swap3A_88 : vector<1x16xf32> to vector<16xf32>
        %swap3A_90 = vector.shape_cast %mul3A_85 : vector<16xf32> to vector<1x16xf32>
        tpu.vector_store %arg14[%swap3A_86, %swap3A_87], %swap3A_90 {strides = array<i32>} : memref<40x768xf32, #tpu.memory_space<vmem>>, vector<1x16xf32>,
        %get3A_91 = arith.index_cast %scan3A_28 : i32 to index
        %get3A_92 = arith.constant 16 : index
        %get3A_93 = tpu.vector_load %arg12[%get3A_91, %get3A_92] {strides = array<i32>} : memref<40x256xf32, #tpu.memory_space<vmem>>, vector<1x16xf32>,
        %get3A_94 = vector.shape_cast %get3A_93 : vector<1x16xf32> to vector<16xf32>
        %get3A_95 = arith.index_cast %scan3A_28 : i32 to index
        %get3A_96 = arith.constant 16 : index
        %get3A_97 = tpu.vector_load %arg10[%get3A_95, %get3A_96] {strides = array<i32>} : memref<40x768xf32, #tpu.memory_space<vmem>>, vector<1x16xf32>,
        %get3A_98 = vector.shape_cast %get3A_97 : vector<1x16xf32> to vector<16xf32>
        %get3A_99 = arith.index_cast %scan3A_28 : i32 to index
        %get3A_100 = arith.constant 16 : index
        %get3A_101 = tpu.vector_load %arg11[%get3A_99, %get3A_100] {strides = array<i32>} : memref<40x768xf32, #tpu.memory_space<vmem>>, vector<1x16xf32>,
        %get3A_102 = vector.shape_cast %get3A_101 : vector<1x16xf32> to vector<16xf32>
        %add3A_103 = arith.addf %get3A_98, %get3A_102 : vector<16xf32>
        %add3A_104 = arith.addf %add3A_103, %get3A_31 : vector<16xf32>
        %mul3A_105 = arith.mulf %add3A_104, %get3A_94 : vector<16xf32>
        %swap3A_106 = arith.index_cast %scan3A_28 : i32 to index
        %swap3A_107 = arith.constant 16 : index
        %swap3A_108 = tpu.vector_load %arg14[%swap3A_106, %swap3A_107] {strides = array<i32>} : memref<40x768xf32, #tpu.memory_space<vmem>>, vector<1x16xf32>,
        %swap3A_109 = vector.shape_cast %swap3A_108 : vector<1x16xf32> to vector<16xf32>
        %swap3A_110 = vector.shape_cast %mul3A_105 : vector<16xf32> to vector<1x16xf32>
        tpu.vector_store %arg14[%swap3A_106, %swap3A_107], %swap3A_110 {strides = array<i32>} : memref<40x768xf32, #tpu.memory_space<vmem>>, vector<1x16xf32>,
        %get3A_111 = arith.index_cast %scan3A_28 : i32 to index
        %get3A_112 = arith.constant 272 : index
        %get3A_113 = tpu.vector_load %arg10[%get3A_111, %get3A_112] {strides = array<i32>} : memref<40x768xf32, #tpu.memory_space<vmem>>, vector<1x16xf32>,
        %get3A_114 = vector.shape_cast %get3A_113 : vector<1x16xf32> to vector<16xf32>
        %get3A_115 = arith.index_cast %scan3A_28 : i32 to index
        %get3A_116 = arith.constant 272 : index
        %get3A_117 = tpu.vector_load %arg11[%get3A_115, %get3A_116] {strides = array<i32>} : memref<40x768xf32, #tpu.memory_space<vmem>>, vector<1x16xf32>,
        %get3A_118 = vector.shape_cast %get3A_117 : vector<1x16xf32> to vector<16xf32>
        %add3A_119 = arith.addf %get3A_114, %get3A_118 : vector<16xf32>
        %add3A_120 = arith.addf %add3A_119, %get3A_35 : vector<16xf32>
        %mul3A_121 = arith.mulf %add3A_120, %get3A_94 : vector<16xf32>
        %swap3A_122 = arith.index_cast %scan3A_28 : i32 to index
        %swap3A_123 = arith.constant 272 : index
        %swap3A_124 = tpu.vector_load %arg14[%swap3A_122, %swap3A_123] {strides = array<i32>} : memref<40x768xf32, #tpu.memory_space<vmem>>, vector<1x16xf32>,
        %swap3A_125 = vector.shape_cast %swap3A_124 : vector<1x16xf32> to vector<16xf32>
        %swap3A_126 = vector.shape_cast %mul3A_121 : vector<16xf32> to vector<1x16xf32>
        tpu.vector_store %arg14[%swap3A_122, %swap3A_123], %swap3A_126 {strides = array<i32>} : memref<40x768xf32, #tpu.memory_space<vmem>>, vector<1x16xf32>,
        %get3A_127 = arith.index_cast %scan3A_28 : i32 to index
        %get3A_128 = arith.constant 528 : index
        %get3A_129 = tpu.vector_load %arg10[%get3A_127, %get3A_128] {strides = array<i32>} : memref<40x768xf32, #tpu.memory_space<vmem>>, vector<1x16xf32>,
        %get3A_130 = vector.shape_cast %get3A_129 : vector<1x16xf32> to vector<16xf32>
        %get3A_131 = arith.index_cast %scan3A_28 : i32 to index
        %get3A_132 = arith.constant 528 : index
        %get3A_133 = tpu.vector_load %arg11[%get3A_131, %get3A_132] {strides = array<i32>} : memref<40x768xf32, #tpu.memory_space<vmem>>, vector<1x16xf32>,
        %get3A_134 = vector.shape_cast %get3A_133 : vector<1x16xf32> to vector<16xf32>
        %add3A_135 = arith.addf %get3A_130, %get3A_134 : vector<16xf32>
        %add3A_136 = arith.addf %add3A_135, %get3A_39 : vector<16xf32>
        %mul3A_137 = arith.mulf %add3A_136, %get3A_94 : vector<16xf32>
        %swap3A_138 = arith.index_cast %scan3A_28 : i32 to index
        %swap3A_139 = arith.constant 528 : index
        %swap3A_140 = tpu.vector_load %arg14[%swap3A_138, %swap3A_139] {strides = array<i32>} : memref<40x768xf32, #tpu.memory_space<vmem>>, vector<1x16xf32>,
        %swap3A_141 = vector.shape_cast %swap3A_140 : vector<1x16xf32> to vector<16xf32>
        %swap3A_142 = vector.shape_cast %mul3A_137 : vector<16xf32> to vector<1x16xf32>
        tpu.vector_store %arg14[%swap3A_138, %swap3A_139], %swap3A_142 {strides = array<i32>} : memref<40x768xf32, #tpu.memory_space<vmem>>, vector<1x16xf32>,
        %get3A_143 = arith.index_cast %scan3A_28 : i32 to index
        %get3A_144 = arith.constant 32 : index
        %get3A_145 = tpu.vector_load %arg12[%get3A_143, %get3A_144] {strides = array<i32>} : memref<40x256xf32, #tpu.memory_space<vmem>>, vector<1x16xf32>,
        %get3A_146 = vector.shape_cast %get3A_145 : vector<1x16xf32> to vector<16xf32>
        %get3A_147 = arith.index_cast %scan3A_28 : i32 to index
        %get3A_148 = arith.constant 32 : index
        %get3A_149 = tpu.vector_load %arg10[%get3A_147, %get3A_148] {strides = array<i32>} : memref<40x768xf32, #tpu.memory_space<vmem>>, vector<1x16xf32>,
        %get3A_150 = vector.shape_cast %get3A_149 : vector<1x16xf32> to vector<16xf32>
        %get3A_151 = arith.index_cast %scan3A_28 : i32 to index
        %get3A_152 = arith.constant 32 : index
        %get3A_153 = tpu.vector_load %arg11[%get3A_151, %get3A_152] {strides = array<i32>} : memref<40x768xf32, #tpu.memory_space<vmem>>, vector<1x16xf32>,
        %get3A_154 = vector.shape_cast %get3A_153 : vector<1x16xf32> to vector<16xf32>
        %add3A_155 = arith.addf %get3A_150, %get3A_154 : vector<16xf32>
        %add3A_156 = arith.addf %add3A_155, %get3A_31 : vector<16xf32>
        %mul3A_157 = arith.mulf %add3A_156, %get3A_146 : vector<16xf32>
        %swap3A_158 = arith.index_cast %scan3A_28 : i32 to index
        %swap3A_159 = arith.constant 32 : index
        %swap3A_160 = tpu.vector_load %arg14[%swap3A_158, %swap3A_159] {strides = array<i32>} : memref<40x768xf32, #tpu.memory_space<vmem>>, vector<1x16xf32>,
        %swap3A_161 = vector.shape_cast %swap3A_160 : vector<1x16xf32> to vector<16xf32>
        %swap3A_162 = vector.shape_cast %mul3A_157 : vector<16xf32> to vector<1x16xf32>
        tpu.vector_store %arg14[%swap3A_158, %swap3A_159], %swap3A_162 {strides = array<i32>} : memref<40x768xf32, #tpu.memory_space<vmem>>, vector<1x16xf32>,
        %get3A_163 = arith.index_cast %scan3A_28 : i32 to index
        %get3A_164 = arith.constant 288 : index
        %get3A_165 = tpu.vector_load %arg10[%get3A_163, %get3A_164] {strides = array<i32>} : memref<40x768xf32, #tpu.memory_space<vmem>>, vector<1x16xf32>,
        %get3A_166 = vector.shape_cast %get3A_165 : vector<1x16xf32> to vector<16xf32>
        %get3A_167 = arith.index_cast %scan3A_28 : i32 to index
        %get3A_168 = arith.constant 288 : index
        %get3A_169 = tpu.vector_load %arg11[%get3A_167, %get3A_168] {strides = array<i32>} : memref<40x768xf32, #tpu.memory_space<vmem>>, vector<1x16xf32>,
        %get3A_170 = vector.shape_cast %get3A_169 : vector<1x16xf32> to vector<16xf32>
        %add3A_171 = arith.addf %get3A_166, %get3A_170 : vector<16xf32>
        %add3A_172 = arith.addf %add3A_171, %get3A_35 : vector<16xf32>
        %mul3A_173 = arith.mulf %add3A_172, %get3A_146 : vector<16xf32>
        %swap3A_174 = arith.index_cast %scan3A_28 : i32 to index
        %swap3A_175 = arith.constant 288 : index
        %swap3A_176 = tpu.vector_load %arg14[%swap3A_174, %swap3A_175] {strides = array<i32>} : memref<40x768xf32, #tpu.memory_space<vmem>>, vector<1x16xf32>,
        %swap3A_177 = vector.shape_cast %swap3A_176 : vector<1x16xf32> to vector<16xf32>
        %swap3A_178 = vector.shape_cast %mul3A_173 : vector<16xf32> to vector<1x16xf32>
        tpu.vector_store %arg14[%swap3A_174, %swap3A_175], %swap3A_178 {strides = array<i32>} : memref<40x768xf32, #tpu.memory_space<vmem>>, vector<1x16xf32>,
        %get3A_179 = arith.index_cast %scan3A_28 : i32 to index
        %get3A_180 = arith.constant 544 : index
        %get3A_181 = tpu.vector_load %arg10[%get3A_179, %get3A_180] {strides = array<i32>} : memref<40x768xf32, #tpu.memory_space<vmem>>, vector<1x16xf32>,
        %get3A_182 = vector.shape_cast %get3A_181 : vector<1x16xf32> to vector<16xf32>
        %get3A_183 = arith.index_cast %scan3A_28 : i32 to index
        %get3A_184 = arith.constant 544 : index
        %get3A_185 = tpu.vector_load %arg11[%get3A_183, %get3A_184] {strides = array<i32>} : memref<40x768xf32, #tpu.memory_space<vmem>>, vector<1x16xf32>,
        %get3A_186 = vector.shape_cast %get3A_185 : vector<1x16xf32> to vector<16xf32>
        %add3A_187 = arith.addf %get3A_182, %get3A_186 : vector<16xf32>
        %add3A_188 = arith.addf %add3A_187, %get3A_39 : vector<16xf32>
        %mul3A_189 = arith.mulf %add3A_188, %get3A_146 : vector<16xf32>
        %swap3A_190 = arith.index_cast %scan3A_28 : i32 to index
        %swap3A_191 = arith.constant 544 : index
        %swap3A_192 = tpu.vector_load %arg14[%swap3A_190, %swap3A_191] {strides = array<i32>} : memref<40x768xf32, #tpu.memory_space<vmem>>, vector<1x16xf32>,
        %swap3A_193 = vector.shape_cast %swap3A_192 : vector<1x16xf32> to vector<16xf32>
        %swap3A_194 = vector.shape_cast %mul3A_189 : vector<16xf32> to vector<1x16xf32>
        tpu.vector_store %arg14[%swap3A_190, %swap3A_191], %swap3A_194 {strides = array<i32>} : memref<40x768xf32, #tpu.memory_space<vmem>>, vector<1x16xf32>,
        %get3A_195 = arith.index_cast %scan3A_28 : i32 to index
        %get3A_196 = arith.constant 48 : index
        %get3A_197 = tpu.vector_load %arg12[%get3A_195, %get3A_196] {strides = array<i32>} : memref<40x256xf32, #tpu.memory_space<vmem>>, vector<1x16xf32>,
        %get3A_198 = vector.shape_cast %get3A_197 : vector<1x16xf32> to vector<16xf32>
        %get3A_199 = arith.index_cast %scan3A_28 : i32 to index
        %get3A_200 = arith.constant 48 : index
        %get3A_201 = tpu.vector_load %arg10[%get3A_199, %get3A_200] {strides = array<i32>} : memref<40x768xf32, #tpu.memory_space<vmem>>, vector<1x16xf32>,
        %get3A_202 = vector.shape_cast %get3A_201 : vector<1x16xf32> to vector<16xf32>
        %get3A_203 = arith.index_cast %scan3A_28 : i32 to index
        %get3A_204 = arith.constant 48 : index
        %get3A_205 = tpu.vector_load %arg11[%get3A_203, %get3A_204] {strides = array<i32>} : memref<40x768xf32, #tpu.memory_space<vmem>>, vector<1x16xf32>,
        %get3A_206 = vector.shape_cast %get3A_205 : vector<1x16xf32> to vector<16xf32>
        %add3A_207 = arith.addf %get3A_202, %get3A_206 : vector<16xf32>
        %add3A_208 = arith.addf %add3A_207, %get3A_31 : vector<16xf32>
        %mul3A_209 = arith.mulf %add3A_208, %get3A_198 : vector<16xf32>
        %swap3A_210 = arith.index_cast %scan3A_28 : i32 to index
        %swap3A_211 = arith.constant 48 : index
        %swap3A_212 = tpu.vector_load %arg14[%swap3A_210, %swap3A_211] {strides = array<i32>} : memref<40x768xf32, #tpu.memory_space<vmem>>, vector<1x16xf32>,
        %swap3A_213 = vector.shape_cast %swap3A_212 : vector<1x16xf32> to vector<16xf32>
        %swap3A_214 = vector.shape_cast %mul3A_209 : vector<16xf32> to vector<1x16xf32>
        tpu.vector_store %arg14[%swap3A_210, %swap3A_211], %swap3A_214 {strides = array<i32>} : memref<40x768xf32, #tpu.memory_space<vmem>>, vector<1x16xf32>,
        %get3A_215 = arith.index_cast %scan3A_28 : i32 to index
        %get3A_216 = arith.constant 304 : index
        %get3A_217 = tpu.vector_load %arg10[%get3A_215, %get3A_216] {strides = array<i32>} : memref<40x768xf32, #tpu.memory_space<vmem>>, vector<1x16xf32>,
        %get3A_218 = vector.shape_cast %get3A_217 : vector<1x16xf32> to vector<16xf32>
        %get3A_219 = arith.index_cast %scan3A_28 : i32 to index
        %get3A_220 = arith.constant 304 : index
        %get3A_221 = tpu.vector_load %arg11[%get3A_219, %get3A_220] {strides = array<i32>} : memref<40x768xf32, #tpu.memory_space<vmem>>, vector<1x16xf32>,
        %get3A_222 = vector.shape_cast %get3A_221 : vector<1x16xf32> to vector<16xf32>
        %add3A_223 = arith.addf %get3A_218, %get3A_222 : vector<16xf32>
        %add3A_224 = arith.addf %add3A_223, %get3A_35 : vector<16xf32>
        %mul3A_225 = arith.mulf %add3A_224, %get3A_198 : vector<16xf32>
        %swap3A_226 = arith.index_cast %scan3A_28 : i32 to index
        %swap3A_227 = arith.constant 304 : index
        %swap3A_228 = tpu.vector_load %arg14[%swap3A_226, %swap3A_227] {strides = array<i32>} : memref<40x768xf32, #tpu.memory_space<vmem>>, vector<1x16xf32>,
        %swap3A_229 = vector.shape_cast %swap3A_228 : vector<1x16xf32> to vector<16xf32>
        %swap3A_230 = vector.shape_cast %mul3A_225 : vector<16xf32> to vector<1x16xf32>
        tpu.vector_store %arg14[%swap3A_226, %swap3A_227], %swap3A_230 {strides = array<i32>} : memref<40x768xf32, #tpu.memory_space<vmem>>, vector<1x16xf32>,
        %get3A_231 = arith.index_cast %scan3A_28 : i32 to index
        %get3A_232 = arith.constant 560 : index
        %get3A_233 = tpu.vector_load %arg10[%get3A_231, %get3A_232] {strides = array<i32>} : memref<40x768xf32, #tpu.memory_space<vmem>>, vector<1x16xf32>,
        %get3A_234 = vector.shape_cast %get3A_233 : vector<1x16xf32> to vector<16xf32>
        %get3A_235 = arith.index_cast %scan3A_28 : i32 to index
        %get3A_236 = arith.constant 560 : index
        %get3A_237 = tpu.vector_load %arg11[%get3A_235, %get3A_236] {strides = array<i32>} : memref<40x768xf32, #tpu.memory_space<vmem>>, vector<1x16xf32>,
        %get3A_238 = vector.shape_cast %get3A_237 : vector<1x16xf32> to vector<16xf32>
        %add3A_239 = arith.addf %get3A_234, %get3A_238 : vector<16xf32>
        %add3A_240 = arith.addf %add3A_239, %get3A_39 : vector<16xf32>
        %mul3A_241 = arith.mulf %add3A_240, %get3A_198 : vector<16xf32>
        %swap3A_242 = arith.index_cast %scan3A_28 : i32 to index
        %swap3A_243 = arith.constant 560 : index
        %swap3A_244 = tpu.vector_load %arg14[%swap3A_242, %swap3A_243] {strides = array<i32>} : memref<40x768xf32, #tpu.memory_space<vmem>>, vector<1x16xf32>,
        %swap3A_245 = vector.shape_cast %swap3A_244 : vector<1x16xf32> to vector<16xf32>
        %swap3A_246 = vector.shape_cast %mul3A_241 : vector<16xf32> to vector<1x16xf32>
        tpu.vector_store %arg14[%swap3A_242, %swap3A_243], %swap3A_246 {strides = array<i32>} : memref<40x768xf32, #tpu.memory_space<vmem>>, vector<1x16xf32>,
        %get3A_247 = arith.index_cast %scan3A_28 : i32 to index
        %get3A_248 = arith.constant 64 : index
        %get3A_249 = tpu.vector_load %arg12[%get3A_247, %get3A_248] {strides = array<i32>} : memref<40x256xf32, #tpu.memory_space<vmem>>, vector<1x16xf32>,
        %get3A_250 = vector.shape_cast %get3A_249 : vector<1x16xf32> to vector<16xf32>
        %get3A_251 = arith.index_cast %scan3A_28 : i32 to index
        %get3A_252 = arith.constant 64 : index
        %get3A_253 = tpu.vector_load %arg10[%get3A_251, %get3A_252] {strides = array<i32>} : memref<40x768xf32, #tpu.memory_space<vmem>>, vector<1x16xf32>,
        %get3A_254 = vector.shape_cast %get3A_253 : vector<1x16xf32> to vector<16xf32>
        %get3A_255 = arith.index_cast %scan3A_28 : i32 to index
        %get3A_256 = arith.constant 64 : index
        %get3A_257 = tpu.vector_load %arg11[%get3A_255, %get3A_256] {strides = array<i32>} : memref<40x768xf32, #tpu.memory_space<vmem>>, vector<1x16xf32>,
        %get3A_258 = vector.shape_cast %get3A_257 : vector<1x16xf32> to vector<16xf32>
        %add3A_259 = arith.addf %get3A_254, %get3A_258 : vector<16xf32>
        %add3A_260 = arith.addf %add3A_259, %get3A_31 : vector<16xf32>
        %mul3A_261 = arith.mulf %add3A_260, %get3A_250 : vector<16xf32>
        %swap3A_262 = arith.index_cast %scan3A_28 : i32 to index
        %swap3A_263 = arith.constant 64 : index
        %swap3A_264 = tpu.vector_load %arg14[%swap3A_262, %swap3A_263] {strides = array<i32>} : memref<40x768xf32, #tpu.memory_space<vmem>>, vector<1x16xf32>,
        %swap3A_265 = vector.shape_cast %swap3A_264 : vector<1x16xf32> to vector<16xf32>
        %swap3A_266 = vector.shape_cast %mul3A_261 : vector<16xf32> to vector<1x16xf32>
        tpu.vector_store %arg14[%swap3A_262, %swap3A_263], %swap3A_266 {strides = array<i32>} : memref<40x768xf32, #tpu.memory_space<vmem>>, vector<1x16xf32>,
        %get3A_267 = arith.index_cast %scan3A_28 : i32 to index
        %get3A_268 = arith.constant 320 : index
        %get3A_269 = tpu.vector_load %arg10[%get3A_267, %get3A_268] {strides = array<i32>} : memref<40x768xf32, #tpu.memory_space<vmem>>, vector<1x16xf32>,
        %get3A_270 = vector.shape_cast %get3A_269 : vector<1x16xf32> to vector<16xf32>
        %get3A_271 = arith.index_cast %scan3A_28 : i32 to index
        %get3A_272 = arith.constant 320 : index
        %get3A_273 = tpu.vector_load %arg11[%get3A_271, %get3A_272] {strides = array<i32>} : memref<40x768xf32, #tpu.memory_space<vmem>>, vector<1x16xf32>,
        %get3A_274 = vector.shape_cast %get3A_273 : vector<1x16xf32> to vector<16xf32>
        %add3A_275 = arith.addf %get3A_270, %get3A_274 : vector<16xf32>
        %add3A_276 = arith.addf %add3A_275, %get3A_35 : vector<16xf32>
        %mul3A_277 = arith.mulf %add3A_276, %get3A_250 : vector<16xf32>
        %swap3A_278 = arith.index_cast %scan3A_28 : i32 to index
        %swap3A_279 = arith.constant 320 : index
        %swap3A_280 = tpu.vector_load %arg14[%swap3A_278, %swap3A_279] {strides = array<i32>} : memref<40x768xf32, #tpu.memory_space<vmem>>, vector<1x16xf32>,
        %swap3A_281 = vector.shape_cast %swap3A_280 : vector<1x16xf32> to vector<16xf32>
        %swap3A_282 = vector.shape_cast %mul3A_277 : vector<16xf32> to vector<1x16xf32>
        tpu.vector_store %arg14[%swap3A_278, %swap3A_279], %swap3A_282 {strides = array<i32>} : memref<40x768xf32, #tpu.memory_space<vmem>>, vector<1x16xf32>,
        %get3A_283 = arith.index_cast %scan3A_28 : i32 to index
        %get3A_284 = arith.constant 576 : index
        %get3A_285 = tpu.vector_load %arg10[%get3A_283, %get3A_284] {strides = array<i32>} : memref<40x768xf32, #tpu.memory_space<vmem>>, vector<1x16xf32>,
        %get3A_286 = vector.shape_cast %get3A_285 : vector<1x16xf32> to vector<16xf32>
        %get3A_287 = arith.index_cast %scan3A_28 : i32 to index
        %get3A_288 = arith.constant 576 : index
        %get3A_289 = tpu.vector_load %arg11[%get3A_287, %get3A_288] {strides = array<i32>} : memref<40x768xf32, #tpu.memory_space<vmem>>, vector<1x16xf32>,
        %get3A_290 = vector.shape_cast %get3A_289 : vector<1x16xf32> to vector<16xf32>
        %add3A_291 = arith.addf %get3A_286, %get3A_290 : vector<16xf32>
        %add3A_292 = arith.addf %add3A_291, %get3A_39 : vector<16xf32>
        %mul3A_293 = arith.mulf %add3A_292, %get3A_250 : vector<16xf32>
        %swap3A_294 = arith.index_cast %scan3A_28 : i32 to index
        %swap3A_295 = arith.constant 576 : index
        %swap3A_296 = tpu.vector_load %arg14[%swap3A_294, %swap3A_295] {strides = array<i32>} : memref<40x768xf32, #tpu.memory_space<vmem>>, vector<1x16xf32>,
        %swap3A_297 = vector.shape_cast %swap3A_296 : vector<1x16xf32> to vector<16xf32>
        %swap3A_298 = vector.shape_cast %mul3A_293 : vector<16xf32> to vector<1x16xf32>
        tpu.vector_store %arg14[%swap3A_294, %swap3A_295], %swap3A_298 {strides = array<i32>} : memref<40x768xf32, #tpu.memory_space<vmem>>, vector<1x16xf32>,
        %get3A_299 = arith.index_cast %scan3A_28 : i32 to index
        %get3A_300 = arith.constant 80 : index
        %get3A_301 = tpu.vector_load %arg12[%get3A_299, %get3A_300] {strides = array<i32>} : memref<40x256xf32, #tpu.memory_space<vmem>>, vector<1x16xf32>,
        %get3A_302 = vector.shape_cast %get3A_301 : vector<1x16xf32> to vector<16xf32>
        %get3A_303 = arith.index_cast %scan3A_28 : i32 to index
        %get3A_304 = arith.constant 80 : index
        %get3A_305 = tpu.vector_load %arg10[%get3A_303, %get3A_304] {strides = array<i32>} : memref<40x768xf32, #tpu.memory_space<vmem>>, vector<1x16xf32>,
        %get3A_306 = vector.shape_cast %get3A_305 : vector<1x16xf32> to vector<16xf32>
        %get3A_307 = arith.index_cast %scan3A_28 : i32 to index
        %get3A_308 = arith.constant 80 : index
        %get3A_309 = tpu.vector_load %arg11[%get3A_307, %get3A_308] {strides = array<i32>} : memref<40x768xf32, #tpu.memory_space<vmem>>, vector<1x16xf32>,
        %get3A_310 = vector.shape_cast %get3A_309 : vector<1x16xf32> to vector<16xf32>
        %add3A_311 = arith.addf %get3A_306, %get3A_310 : vector<16xf32>
        %add3A_312 = arith.addf %add3A_311, %get3A_31 : vector<16xf32>
        %mul3A_313 = arith.mulf %add3A_312, %get3A_302 : vector<16xf32>
        %swap3A_314 = arith.index_cast %scan3A_28 : i32 to index
        %swap3A_315 = arith.constant 80 : index
        %swap3A_316 = tpu.vector_load %arg14[%swap3A_314, %swap3A_315] {strides = array<i32>} : memref<40x768xf32, #tpu.memory_space<vmem>>, vector<1x16xf32>,
        %swap3A_317 = vector.shape_cast %swap3A_316 : vector<1x16xf32> to vector<16xf32>
        %swap3A_318 = vector.shape_cast %mul3A_313 : vector<16xf32> to vector<1x16xf32>
        tpu.vector_store %arg14[%swap3A_314, %swap3A_315], %swap3A_318 {strides = array<i32>} : memref<40x768xf32, #tpu.memory_space<vmem>>, vector<1x16xf32>,
        %get3A_319 = arith.index_cast %scan3A_28 : i32 to index
        %get3A_320 = arith.constant 336 : index
        %get3A_321 = tpu.vector_load %arg10[%get3A_319, %get3A_320] {strides = array<i32>} : memref<40x768xf32, #tpu.memory_space<vmem>>, vector<1x16xf32>,
        %get3A_322 = vector.shape_cast %get3A_321 : vector<1x16xf32> to vector<16xf32>
        %get3A_323 = arith.index_cast %scan3A_28 : i32 to index
        %get3A_324 = arith.constant 336 : index
        %get3A_325 = tpu.vector_load %arg11[%get3A_323, %get3A_324] {strides = array<i32>} : memref<40x768xf32, #tpu.memory_space<vmem>>, vector<1x16xf32>,
        %get3A_326 = vector.shape_cast %get3A_325 : vector<1x16xf32> to vector<16xf32>
        %add3A_327 = arith.addf %get3A_322, %get3A_326 : vector<16xf32>
        %add3A_328 = arith.addf %add3A_327, %get3A_35 : vector<16xf32>
        %mul3A_329 = arith.mulf %add3A_328, %get3A_302 : vector<16xf32>
        %swap3A_330 = arith.index_cast %scan3A_28 : i32 to index
        %swap3A_331 = arith.constant 336 : index
        %swap3A_332 = tpu.vector_load %arg14[%swap3A_330, %swap3A_331] {strides = array<i32>} : memref<40x768xf32, #tpu.memory_space<vmem>>, vector<1x16xf32>,
        %swap3A_333 = vector.shape_cast %swap3A_332 : vector<1x16xf32> to vector<16xf32>
        %swap3A_334 = vector.shape_cast %mul3A_329 : vector<16xf32> to vector<1x16xf32>
        tpu.vector_store %arg14[%swap3A_330, %swap3A_331], %swap3A_334 {strides = array<i32>} : memref<40x768xf32, #tpu.memory_space<vmem>>, vector<1x16xf32>,
        %get3A_335 = arith.index_cast %scan3A_28 : i32 to index
        %get3A_336 = arith.constant 592 : index
        %get3A_337 = tpu.vector_load %arg10[%get3A_335, %get3A_336] {strides = array<i32>} : memref<40x768xf32, #tpu.memory_space<vmem>>, vector<1x16xf32>,
        %get3A_338 = vector.shape_cast %get3A_337 : vector<1x16xf32> to vector<16xf32>
        %get3A_339 = arith.index_cast %scan3A_28 : i32 to index
        %get3A_340 = arith.constant 592 : index
        %get3A_341 = tpu.vector_load %arg11[%get3A_339, %get3A_340] {strides = array<i32>} : memref<40x768xf32, #tpu.memory_space<vmem>>, vector<1x16xf32>,
        %get3A_342 = vector.shape_cast %get3A_341 : vector<1x16xf32> to vector<16xf32>
        %add3A_343 = arith.addf %get3A_338, %get3A_342 : vector<16xf32>
        %add3A_344 = arith.addf %add3A_343, %get3A_39 : vector<16xf32>
        %mul3A_345 = arith.mulf %add3A_344, %get3A_302 : vector<16xf32>
        %swap3A_346 = arith.index_cast %scan3A_28 : i32 to index
        %swap3A_347 = arith.constant 592 : index
        %swap3A_348 = tpu.vector_load %arg14[%swap3A_346, %swap3A_347] {strides = array<i32>} : memref<40x768xf32, #tpu.memory_space<vmem>>, vector<1x16xf32>,
        %swap3A_349 = vector.shape_cast %swap3A_348 : vector<1x16xf32> to vector<16xf32>
        %swap3A_350 = vector.shape_cast %mul3A_345 : vector<16xf32> to vector<1x16xf32>
        tpu.vector_store %arg14[%swap3A_346, %swap3A_347], %swap3A_350 {strides = array<i32>} : memref<40x768xf32, #tpu.memory_space<vmem>>, vector<1x16xf32>,
        %get3A_351 = arith.index_cast %scan3A_28 : i32 to index
        %get3A_352 = arith.constant 96 : index
        %get3A_353 = tpu.vector_load %arg12[%get3A_351, %get3A_352] {strides = array<i32>} : memref<40x256xf32, #tpu.memory_space<vmem>>, vector<1x16xf32>,
        %get3A_354 = vector.shape_cast %get3A_353 : vector<1x16xf32> to vector<16xf32>
        %get3A_355 = arith.index_cast %scan3A_28 : i32 to index
        %get3A_356 = arith.constant 96 : index
        %get3A_357 = tpu.vector_load %arg10[%get3A_355, %get3A_356] {strides = array<i32>} : memref<40x768xf32, #tpu.memory_space<vmem>>, vector<1x16xf32>,
        %get3A_358 = vector.shape_cast %get3A_357 : vector<1x16xf32> to vector<16xf32>
        %get3A_359 = arith.index_cast %scan3A_28 : i32 to index
        %get3A_360 = arith.constant 96 : index
        %get3A_361 = tpu.vector_load %arg11[%get3A_359, %get3A_360] {strides = array<i32>} : memref<40x768xf32, #tpu.memory_space<vmem>>, vector<1x16xf32>,
        %get3A_362 = vector.shape_cast %get3A_361 : vector<1x16xf32> to vector<16xf32>
        %add3A_363 = arith.addf %get3A_358, %get3A_362 : vector<16xf32>
        %add3A_364 = arith.addf %add3A_363, %get3A_31 : vector<16xf32>
        %mul3A_365 = arith.mulf %add3A_364, %get3A_354 : vector<16xf32>
        %swap3A_366 = arith.index_cast %scan3A_28 : i32 to index
        %swap3A_367 = arith.constant 96 : index
        %swap3A_368 = tpu.vector_load %arg14[%swap3A_366, %swap3A_367] {strides = array<i32>} : memref<40x768xf32, #tpu.memory_space<vmem>>, vector<1x16xf32>,
        %swap3A_369 = vector.shape_cast %swap3A_368 : vector<1x16xf32> to vector<16xf32>
        %swap3A_370 = vector.shape_cast %mul3A_365 : vector<16xf32> to vector<1x16xf32>
        tpu.vector_store %arg14[%swap3A_366, %swap3A_367], %swap3A_370 {strides = array<i32>} : memref<40x768xf32, #tpu.memory_space<vmem>>, vector<1x16xf32>,
        %get3A_371 = arith.index_cast %scan3A_28 : i32 to index
        %get3A_372 = arith.constant 352 : index
        %get3A_373 = tpu.vector_load %arg10[%get3A_371, %get3A_372] {strides = array<i32>} : memref<40x768xf32, #tpu.memory_space<vmem>>, vector<1x16xf32>,
        %get3A_374 = vector.shape_cast %get3A_373 : vector<1x16xf32> to vector<16xf32>
        %get3A_375 = arith.index_cast %scan3A_28 : i32 to index
        %get3A_376 = arith.constant 352 : index
        %get3A_377 = tpu.vector_load %arg11[%get3A_375, %get3A_376] {strides = array<i32>} : memref<40x768xf32, #tpu.memory_space<vmem>>, vector<1x16xf32>,
        %get3A_378 = vector.shape_cast %get3A_377 : vector<1x16xf32> to vector<16xf32>
        %add3A_379 = arith.addf %get3A_374, %get3A_378 : vector<16xf32>
        %add3A_380 = arith.addf %add3A_379, %get3A_35 : vector<16xf32>
        %mul3A_381 = arith.mulf %add3A_380, %get3A_354 : vector<16xf32>
        %swap3A_382 = arith.index_cast %scan3A_28 : i32 to index
        %swap3A_383 = arith.constant 352 : index
        %swap3A_384 = tpu.vector_load %arg14[%swap3A_382, %swap3A_383] {strides = array<i32>} : memref<40x768xf32, #tpu.memory_space<vmem>>, vector<1x16xf32>,
        %swap3A_385 = vector.shape_cast %swap3A_384 : vector<1x16xf32> to vector<16xf32>
        %swap3A_386 = vector.shape_cast %mul3A_381 : vector<16xf32> to vector<1x16xf32>
        tpu.vector_store %arg14[%swap3A_382, %swap3A_383], %swap3A_386 {strides = array<i32>} : memref<40x768xf32, #tpu.memory_space<vmem>>, vector<1x16xf32>,
        %get3A_387 = arith.index_cast %scan3A_28 : i32 to index
        %get3A_388 = arith.constant 608 : index
        %get3A_389 = tpu.vector_load %arg10[%get3A_387, %get3A_388] {strides = array<i32>} : memref<40x768xf32, #tpu.memory_space<vmem>>, vector<1x16xf32>,
        %get3A_390 = vector.shape_cast %get3A_389 : vector<1x16xf32> to vector<16xf32>
        %get3A_391 = arith.index_cast %scan3A_28 : i32 to index
        %get3A_392 = arith.constant 608 : index
        %get3A_393 = tpu.vector_load %arg11[%get3A_391, %get3A_392] {strides = array<i32>} : memref<40x768xf32, #tpu.memory_space<vmem>>, vector<1x16xf32>,
        %get3A_394 = vector.shape_cast %get3A_393 : vector<1x16xf32> to vector<16xf32>
        %add3A_395 = arith.addf %get3A_390, %get3A_394 : vector<16xf32>
        %add3A_396 = arith.addf %add3A_395, %get3A_39 : vector<16xf32>
        %mul3A_397 = arith.mulf %add3A_396, %get3A_354 : vector<16xf32>
        %swap3A_398 = arith.index_cast %scan3A_28 : i32 to index
        %swap3A_399 = arith.constant 608 : index
        %swap3A_400 = tpu.vector_load %arg14[%swap3A_398, %swap3A_399] {strides = array<i32>} : memref<40x768xf32, #tpu.memory_space<vmem>>, vector<1x16xf32>,
        %swap3A_401 = vector.shape_cast %swap3A_400 : vector<1x16xf32> to vector<16xf32>
        %swap3A_402 = vector.shape_cast %mul3A_397 : vector<16xf32> to vector<1x16xf32>
        tpu.vector_store %arg14[%swap3A_398, %swap3A_399], %swap3A_402 {strides = array<i32>} : memref<40x768xf32, #tpu.memory_space<vmem>>, vector<1x16xf32>,
        %get3A_403 = arith.index_cast %scan3A_28 : i32 to index
        %get3A_404 = arith.constant 112 : index
        %get3A_405 = tpu.vector_load %arg12[%get3A_403, %get3A_404] {strides = array<i32>} : memref<40x256xf32, #tpu.memory_space<vmem>>, vector<1x16xf32>,
        %get3A_406 = vector.shape_cast %get3A_405 : vector<1x16xf32> to vector<16xf32>
        %get3A_407 = arith.index_cast %scan3A_28 : i32 to index
        %get3A_408 = arith.constant 112 : index
        %get3A_409 = tpu.vector_load %arg10[%get3A_407, %get3A_408] {strides = array<i32>} : memref<40x768xf32, #tpu.memory_space<vmem>>, vector<1x16xf32>,
        %get3A_410 = vector.shape_cast %get3A_409 : vector<1x16xf32> to vector<16xf32>
        %get3A_411 = arith.index_cast %scan3A_28 : i32 to index
        %get3A_412 = arith.constant 112 : index
        %get3A_413 = tpu.vector_load %arg11[%get3A_411, %get3A_412] {strides = array<i32>} : memref<40x768xf32, #tpu.memory_space<vmem>>, vector<1x16xf32>,
        %get3A_414 = vector.shape_cast %get3A_413 : vector<1x16xf32> to vector<16xf32>
        %add3A_415 = arith.addf %get3A_410, %get3A_414 : vector<16xf32>
        %add3A_416 = arith.addf %add3A_415, %get3A_31 : vector<16xf32>
        %mul3A_417 = arith.mulf %add3A_416, %get3A_406 : vector<16xf32>
        %swap3A_418 = arith.index_cast %scan3A_28 : i32 to index
        %swap3A_419 = arith.constant 112 : index
        %swap3A_420 = tpu.vector_load %arg14[%swap3A_418, %swap3A_419] {strides = array<i32>} : memref<40x768xf32, #tpu.memory_space<vmem>>, vector<1x16xf32>,
        %swap3A_421 = vector.shape_cast %swap3A_420 : vector<1x16xf32> to vector<16xf32>
        %swap3A_422 = vector.shape_cast %mul3A_417 : vector<16xf32> to vector<1x16xf32>
        tpu.vector_store %arg14[%swap3A_418, %swap3A_419], %swap3A_422 {strides = array<i32>} : memref<40x768xf32, #tpu.memory_space<vmem>>, vector<1x16xf32>,
        %get3A_423 = arith.index_cast %scan3A_28 : i32 to index
        %get3A_424 = arith.constant 368 : index
        %get3A_425 = tpu.vector_load %arg10[%get3A_423, %get3A_424] {strides = array<i32>} : memref<40x768xf32, #tpu.memory_space<vmem>>, vector<1x16xf32>,
        %get3A_426 = vector.shape_cast %get3A_425 : vector<1x16xf32> to vector<16xf32>
        %get3A_427 = arith.index_cast %scan3A_28 : i32 to index
        %get3A_428 = arith.constant 368 : index
        %get3A_429 = tpu.vector_load %arg11[%get3A_427, %get3A_428] {strides = array<i32>} : memref<40x768xf32, #tpu.memory_space<vmem>>, vector<1x16xf32>,
        %get3A_430 = vector.shape_cast %get3A_429 : vector<1x16xf32> to vector<16xf32>
        %add3A_431 = arith.addf %get3A_426, %get3A_430 : vector<16xf32>
        %add3A_432 = arith.addf %add3A_431, %get3A_35 : vector<16xf32>
        %mul3A_433 = arith.mulf %add3A_432, %get3A_406 : vector<16xf32>
        %swap3A_434 = arith.index_cast %scan3A_28 : i32 to index
        %swap3A_435 = arith.constant 368 : index
        %swap3A_436 = tpu.vector_load %arg14[%swap3A_434, %swap3A_435] {strides = array<i32>} : memref<40x768xf32, #tpu.memory_space<vmem>>, vector<1x16xf32>,
        %swap3A_437 = vector.shape_cast %swap3A_436 : vector<1x16xf32> to vector<16xf32>
        %swap3A_438 = vector.shape_cast %mul3A_433 : vector<16xf32> to vector<1x16xf32>
        tpu.vector_store %arg14[%swap3A_434, %swap3A_435], %swap3A_438 {strides = array<i32>} : memref<40x768xf32, #tpu.memory_space<vmem>>, vector<1x16xf32>,
        %get3A_439 = arith.index_cast %scan3A_28 : i32 to index
        %get3A_440 = arith.constant 624 : index
        %get3A_441 = tpu.vector_load %arg10[%get3A_439, %get3A_440] {strides = array<i32>} : memref<40x768xf32, #tpu.memory_space<vmem>>, vector<1x16xf32>,
        %get3A_442 = vector.shape_cast %get3A_441 : vector<1x16xf32> to vector<16xf32>
        %get3A_443 = arith.index_cast %scan3A_28 : i32 to index
        %get3A_444 = arith.constant 624 : index
        %get3A_445 = tpu.vector_load %arg11[%get3A_443, %get3A_444] {strides = array<i32>} : memref<40x768xf32, #tpu.memory_space<vmem>>, vector<1x16xf32>,
        %get3A_446 = vector.shape_cast %get3A_445 : vector<1x16xf32> to vector<16xf32>
        %add3A_447 = arith.addf %get3A_442, %get3A_446 : vector<16xf32>
        %add3A_448 = arith.addf %add3A_447, %get3A_39 : vector<16xf32>
        %mul3A_449 = arith.mulf %add3A_448, %get3A_406 : vector<16xf32>
        %swap3A_450 = arith.index_cast %scan3A_28 : i32 to index
        %swap3A_451 = arith.constant 624 : index
        %swap3A_452 = tpu.vector_load %arg14[%swap3A_450, %swap3A_451] {strides = array<i32>} : memref<40x768xf32, #tpu.memory_space<vmem>>, vector<1x16xf32>,
        %swap3A_453 = vector.shape_cast %swap3A_452 : vector<1x16xf32> to vector<16xf32>
        %swap3A_454 = vector.shape_cast %mul3A_449 : vector<16xf32> to vector<1x16xf32>
        tpu.vector_store %arg14[%swap3A_450, %swap3A_451], %swap3A_454 {strides = array<i32>} : memref<40x768xf32, #tpu.memory_space<vmem>>, vector<1x16xf32>,
        %get3A_455 = arith.index_cast %scan3A_28 : i32 to index
        %get3A_456 = arith.constant 128 : index
        %get3A_457 = tpu.vector_load %arg12[%get3A_455, %get3A_456] {strides = array<i32>} : memref<40x256xf32, #tpu.memory_space<vmem>>, vector<1x16xf32>,
        %get3A_458 = vector.shape_cast %get3A_457 : vector<1x16xf32> to vector<16xf32>
        %get3A_459 = arith.index_cast %scan3A_28 : i32 to index
        %get3A_460 = arith.constant 128 : index
        %get3A_461 = tpu.vector_load %arg10[%get3A_459, %get3A_460] {strides = array<i32>} : memref<40x768xf32, #tpu.memory_space<vmem>>, vector<1x16xf32>,
        %get3A_462 = vector.shape_cast %get3A_461 : vector<1x16xf32> to vector<16xf32>
        %get3A_463 = arith.index_cast %scan3A_28 : i32 to index
        %get3A_464 = arith.constant 128 : index
        %get3A_465 = tpu.vector_load %arg11[%get3A_463, %get3A_464] {strides = array<i32>} : memref<40x768xf32, #tpu.memory_space<vmem>>, vector<1x16xf32>,
        %get3A_466 = vector.shape_cast %get3A_465 : vector<1x16xf32> to vector<16xf32>
        %add3A_467 = arith.addf %get3A_462, %get3A_466 : vector<16xf32>
        %add3A_468 = arith.addf %add3A_467, %get3A_31 : vector<16xf32>
        %mul3A_469 = arith.mulf %add3A_468, %get3A_458 : vector<16xf32>
        %swap3A_470 = arith.index_cast %scan3A_28 : i32 to index
        %swap3A_471 = arith.constant 128 : index
        %swap3A_472 = tpu.vector_load %arg14[%swap3A_470, %swap3A_471] {strides = array<i32>} : memref<40x768xf32, #tpu.memory_space<vmem>>, vector<1x16xf32>,
        %swap3A_473 = vector.shape_cast %swap3A_472 : vector<1x16xf32> to vector<16xf32>
        %swap3A_474 = vector.shape_cast %mul3A_469 : vector<16xf32> to vector<1x16xf32>
        tpu.vector_store %arg14[%swap3A_470, %swap3A_471], %swap3A_474 {strides = array<i32>} : memref<40x768xf32, #tpu.memory_space<vmem>>, vector<1x16xf32>,
        %get3A_475 = arith.index_cast %scan3A_28 : i32 to index
        %get3A_476 = arith.constant 384 : index
        %get3A_477 = tpu.vector_load %arg10[%get3A_475, %get3A_476] {strides = array<i32>} : memref<40x768xf32, #tpu.memory_space<vmem>>, vector<1x16xf32>,
        %get3A_478 = vector.shape_cast %get3A_477 : vector<1x16xf32> to vector<16xf32>
        %get3A_479 = arith.index_cast %scan3A_28 : i32 to index
        %get3A_480 = arith.constant 384 : index
        %get3A_481 = tpu.vector_load %arg11[%get3A_479, %get3A_480] {strides = array<i32>} : memref<40x768xf32, #tpu.memory_space<vmem>>, vector<1x16xf32>,
        %get3A_482 = vector.shape_cast %get3A_481 : vector<1x16xf32> to vector<16xf32>
        %add3A_483 = arith.addf %get3A_478, %get3A_482 : vector<16xf32>
        %add3A_484 = arith.addf %add3A_483, %get3A_35 : vector<16xf32>
        %mul3A_485 = arith.mulf %add3A_484, %get3A_458 : vector<16xf32>
        %swap3A_486 = arith.index_cast %scan3A_28 : i32 to index
        %swap3A_487 = arith.constant 384 : index
        %swap3A_488 = tpu.vector_load %arg14[%swap3A_486, %swap3A_487] {strides = array<i32>} : memref<40x768xf32, #tpu.memory_space<vmem>>, vector<1x16xf32>,
        %swap3A_489 = vector.shape_cast %swap3A_488 : vector<1x16xf32> to vector<16xf32>
        %swap3A_490 = vector.shape_cast %mul3A_485 : vector<16xf32> to vector<1x16xf32>
        tpu.vector_store %arg14[%swap3A_486, %swap3A_487], %swap3A_490 {strides = array<i32>} : memref<40x768xf32, #tpu.memory_space<vmem>>, vector<1x16xf32>,
        %get3A_491 = arith.index_cast %scan3A_28 : i32 to index
        %get3A_492 = arith.constant 640 : index
        %get3A_493 = tpu.vector_load %arg10[%get3A_491, %get3A_492] {strides = array<i32>} : memref<40x768xf32, #tpu.memory_space<vmem>>, vector<1x16xf32>,
        %get3A_494 = vector.shape_cast %get3A_493 : vector<1x16xf32> to vector<16xf32>
        %get3A_495 = arith.index_cast %scan3A_28 : i32 to index
        %get3A_496 = arith.constant 640 : index
        %get3A_497 = tpu.vector_load %arg11[%get3A_495, %get3A_496] {strides = array<i32>} : memref<40x768xf32, #tpu.memory_space<vmem>>, vector<1x16xf32>,
        %get3A_498 = vector.shape_cast %get3A_497 : vector<1x16xf32> to vector<16xf32>
        %add3A_499 = arith.addf %get3A_494, %get3A_498 : vector<16xf32>
        %add3A_500 = arith.addf %add3A_499, %get3A_39 : vector<16xf32>
        %mul3A_501 = arith.mulf %add3A_500, %get3A_458 : vector<16xf32>
        %swap3A_502 = arith.index_cast %scan3A_28 : i32 to index
        %swap3A_503 = arith.constant 640 : index
        %swap3A_504 = tpu.vector_load %arg14[%swap3A_502, %swap3A_503] {strides = array<i32>} : memref<40x768xf32, #tpu.memory_space<vmem>>, vector<1x16xf32>,
        %swap3A_505 = vector.shape_cast %swap3A_504 : vector<1x16xf32> to vector<16xf32>
        %swap3A_506 = vector.shape_cast %mul3A_501 : vector<16xf32> to vector<1x16xf32>
        tpu.vector_store %arg14[%swap3A_502, %swap3A_503], %swap3A_506 {strides = array<i32>} : memref<40x768xf32, #tpu.memory_space<vmem>>, vector<1x16xf32>,
        %get3A_507 = arith.index_cast %scan3A_28 : i32 to index
        %get3A_508 = arith.constant 144 : index
        %get3A_509 = tpu.vector_load %arg12[%get3A_507, %get3A_508] {strides = array<i32>} : memref<40x256xf32, #tpu.memory_space<vmem>>, vector<1x16xf32>,
        %get3A_510 = vector.shape_cast %get3A_509 : vector<1x16xf32> to vector<16xf32>
        %get3A_511 = arith.index_cast %scan3A_28 : i32 to index
        %get3A_512 = arith.constant 144 : index
        %get3A_513 = tpu.vector_load %arg10[%get3A_511, %get3A_512] {strides = array<i32>} : memref<40x768xf32, #tpu.memory_space<vmem>>, vector<1x16xf32>,
        %get3A_514 = vector.shape_cast %get3A_513 : vector<1x16xf32> to vector<16xf32>
        %get3A_515 = arith.index_cast %scan3A_28 : i32 to index
        %get3A_516 = arith.constant 144 : index
        %get3A_517 = tpu.vector_load %arg11[%get3A_515, %get3A_516] {strides = array<i32>} : memref<40x768xf32, #tpu.memory_space<vmem>>, vector<1x16xf32>,
        %get3A_518 = vector.shape_cast %get3A_517 : vector<1x16xf32> to vector<16xf32>
        %add3A_519 = arith.addf %get3A_514, %get3A_518 : vector<16xf32>
        %add3A_520 = arith.addf %add3A_519, %get3A_31 : vector<16xf32>
        %mul3A_521 = arith.mulf %add3A_520, %get3A_510 : vector<16xf32>
        %swap3A_522 = arith.index_cast %scan3A_28 : i32 to index
        %swap3A_523 = arith.constant 144 : index
        %swap3A_524 = tpu.vector_load %arg14[%swap3A_522, %swap3A_523] {strides = array<i32>} : memref<40x768xf32, #tpu.memory_space<vmem>>, vector<1x16xf32>,
        %swap3A_525 = vector.shape_cast %swap3A_524 : vector<1x16xf32> to vector<16xf32>
        %swap3A_526 = vector.shape_cast %mul3A_521 : vector<16xf32> to vector<1x16xf32>
        tpu.vector_store %arg14[%swap3A_522, %swap3A_523], %swap3A_526 {strides = array<i32>} : memref<40x768xf32, #tpu.memory_space<vmem>>, vector<1x16xf32>,
        %get3A_527 = arith.index_cast %scan3A_28 : i32 to index
        %get3A_528 = arith.constant 400 : index
        %get3A_529 = tpu.vector_load %arg10[%get3A_527, %get3A_528] {strides = array<i32>} : memref<40x768xf32, #tpu.memory_space<vmem>>, vector<1x16xf32>,
        %get3A_530 = vector.shape_cast %get3A_529 : vector<1x16xf32> to vector<16xf32>
        %get3A_531 = arith.index_cast %scan3A_28 : i32 to index
        %get3A_532 = arith.constant 400 : index
        %get3A_533 = tpu.vector_load %arg11[%get3A_531, %get3A_532] {strides = array<i32>} : memref<40x768xf32, #tpu.memory_space<vmem>>, vector<1x16xf32>,
        %get3A_534 = vector.shape_cast %get3A_533 : vector<1x16xf32> to vector<16xf32>
        %add3A_535 = arith.addf %get3A_530, %get3A_534 : vector<16xf32>
        %add3A_536 = arith.addf %add3A_535, %get3A_35 : vector<16xf32>
        %mul3A_537 = arith.mulf %add3A_536, %get3A_510 : vector<16xf32>
        %swap3A_538 = arith.index_cast %scan3A_28 : i32 to index
        %swap3A_539 = arith.constant 400 : index
        %swap3A_540 = tpu.vector_load %arg14[%swap3A_538, %swap3A_539] {strides = array<i32>} : memref<40x768xf32, #tpu.memory_space<vmem>>, vector<1x16xf32>,
        %swap3A_541 = vector.shape_cast %swap3A_540 : vector<1x16xf32> to vector<16xf32>
        %swap3A_542 = vector.shape_cast %mul3A_537 : vector<16xf32> to vector<1x16xf32>
        tpu.vector_store %arg14[%swap3A_538, %swap3A_539], %swap3A_542 {strides = array<i32>} : memref<40x768xf32, #tpu.memory_space<vmem>>, vector<1x16xf32>,
        %get3A_543 = arith.index_cast %scan3A_28 : i32 to index
        %get3A_544 = arith.constant 656 : index
        %get3A_545 = tpu.vector_load %arg10[%get3A_543, %get3A_544] {strides = array<i32>} : memref<40x768xf32, #tpu.memory_space<vmem>>, vector<1x16xf32>,
        %get3A_546 = vector.shape_cast %get3A_545 : vector<1x16xf32> to vector<16xf32>
        %get3A_547 = arith.index_cast %scan3A_28 : i32 to index
        %get3A_548 = arith.constant 656 : index
        %get3A_549 = tpu.vector_load %arg11[%get3A_547, %get3A_548] {strides = array<i32>} : memref<40x768xf32, #tpu.memory_space<vmem>>, vector<1x16xf32>,
        %get3A_550 = vector.shape_cast %get3A_549 : vector<1x16xf32> to vector<16xf32>
        %add3A_551 = arith.addf %get3A_546, %get3A_550 : vector<16xf32>
        %add3A_552 = arith.addf %add3A_551, %get3A_39 : vector<16xf32>
        %mul3A_553 = arith.mulf %add3A_552, %get3A_510 : vector<16xf32>
        %swap3A_554 = arith.index_cast %scan3A_28 : i32 to index
        %swap3A_555 = arith.constant 656 : index
        %swap3A_556 = tpu.vector_load %arg14[%swap3A_554, %swap3A_555] {strides = array<i32>} : memref<40x768xf32, #tpu.memory_space<vmem>>, vector<1x16xf32>,
        %swap3A_557 = vector.shape_cast %swap3A_556 : vector<1x16xf32> to vector<16xf32>
        %swap3A_558 = vector.shape_cast %mul3A_553 : vector<16xf32> to vector<1x16xf32>
        tpu.vector_store %arg14[%swap3A_554, %swap3A_555], %swap3A_558 {strides = array<i32>} : memref<40x768xf32, #tpu.memory_space<vmem>>, vector<1x16xf32>,
        %get3A_559 = arith.index_cast %scan3A_28 : i32 to index
        %get3A_560 = arith.constant 160 : index
        %get3A_561 = tpu.vector_load %arg12[%get3A_559, %get3A_560] {strides = array<i32>} : memref<40x256xf32, #tpu.memory_space<vmem>>, vector<1x16xf32>,
        %get3A_562 = vector.shape_cast %get3A_561 : vector<1x16xf32> to vector<16xf32>
        %get3A_563 = arith.index_cast %scan3A_28 : i32 to index
        %get3A_564 = arith.constant 160 : index
        %get3A_565 = tpu.vector_load %arg10[%get3A_563, %get3A_564] {strides = array<i32>} : memref<40x768xf32, #tpu.memory_space<vmem>>, vector<1x16xf32>,
        %get3A_566 = vector.shape_cast %get3A_565 : vector<1x16xf32> to vector<16xf32>
        %get3A_567 = arith.index_cast %scan3A_28 : i32 to index
        %get3A_568 = arith.constant 160 : index
        %get3A_569 = tpu.vector_load %arg11[%get3A_567, %get3A_568] {strides = array<i32>} : memref<40x768xf32, #tpu.memory_space<vmem>>, vector<1x16xf32>,
        %get3A_570 = vector.shape_cast %get3A_569 : vector<1x16xf32> to vector<16xf32>
        %add3A_571 = arith.addf %get3A_566, %get3A_570 : vector<16xf32>
        %add3A_572 = arith.addf %add3A_571, %get3A_31 : vector<16xf32>
        %mul3A_573 = arith.mulf %add3A_572, %get3A_562 : vector<16xf32>
        %swap3A_574 = arith.index_cast %scan3A_28 : i32 to index
        %swap3A_575 = arith.constant 160 : index
        %swap3A_576 = tpu.vector_load %arg14[%swap3A_574, %swap3A_575] {strides = array<i32>} : memref<40x768xf32, #tpu.memory_space<vmem>>, vector<1x16xf32>,
        %swap3A_577 = vector.shape_cast %swap3A_576 : vector<1x16xf32> to vector<16xf32>
        %swap3A_578 = vector.shape_cast %mul3A_573 : vector<16xf32> to vector<1x16xf32>
        tpu.vector_store %arg14[%swap3A_574, %swap3A_575], %swap3A_578 {strides = array<i32>} : memref<40x768xf32, #tpu.memory_space<vmem>>, vector<1x16xf32>,
        %get3A_579 = arith.index_cast %scan3A_28 : i32 to index
        %get3A_580 = arith.constant 416 : index
        %get3A_581 = tpu.vector_load %arg10[%get3A_579, %get3A_580] {strides = array<i32>} : memref<40x768xf32, #tpu.memory_space<vmem>>, vector<1x16xf32>,
        %get3A_582 = vector.shape_cast %get3A_581 : vector<1x16xf32> to vector<16xf32>
        %get3A_583 = arith.index_cast %scan3A_28 : i32 to index
        %get3A_584 = arith.constant 416 : index
        %get3A_585 = tpu.vector_load %arg11[%get3A_583, %get3A_584] {strides = array<i32>} : memref<40x768xf32, #tpu.memory_space<vmem>>, vector<1x16xf32>,
        %get3A_586 = vector.shape_cast %get3A_585 : vector<1x16xf32> to vector<16xf32>
        %add3A_587 = arith.addf %get3A_582, %get3A_586 : vector<16xf32>
        %add3A_588 = arith.addf %add3A_587, %get3A_35 : vector<16xf32>
        %mul3A_589 = arith.mulf %add3A_588, %get3A_562 : vector<16xf32>
        %swap3A_590 = arith.index_cast %scan3A_28 : i32 to index
        %swap3A_591 = arith.constant 416 : index
        %swap3A_592 = tpu.vector_load %arg14[%swap3A_590, %swap3A_591] {strides = array<i32>} : memref<40x768xf32, #tpu.memory_space<vmem>>, vector<1x16xf32>,
        %swap3A_593 = vector.shape_cast %swap3A_592 : vector<1x16xf32> to vector<16xf32>
        %swap3A_594 = vector.shape_cast %mul3A_589 : vector<16xf32> to vector<1x16xf32>
        tpu.vector_store %arg14[%swap3A_590, %swap3A_591], %swap3A_594 {strides = array<i32>} : memref<40x768xf32, #tpu.memory_space<vmem>>, vector<1x16xf32>,
        %get3A_595 = arith.index_cast %scan3A_28 : i32 to index
        %get3A_596 = arith.constant 672 : index
        %get3A_597 = tpu.vector_load %arg10[%get3A_595, %get3A_596] {strides = array<i32>} : memref<40x768xf32, #tpu.memory_space<vmem>>, vector<1x16xf32>,
        %get3A_598 = vector.shape_cast %get3A_597 : vector<1x16xf32> to vector<16xf32>
        %get3A_599 = arith.index_cast %scan3A_28 : i32 to index
        %get3A_600 = arith.constant 672 : index
        %get3A_601 = tpu.vector_load %arg11[%get3A_599, %get3A_600] {strides = array<i32>} : memref<40x768xf32, #tpu.memory_space<vmem>>, vector<1x16xf32>,
        %get3A_602 = vector.shape_cast %get3A_601 : vector<1x16xf32> to vector<16xf32>
        %add3A_603 = arith.addf %get3A_598, %get3A_602 : vector<16xf32>
        %add3A_604 = arith.addf %add3A_603, %get3A_39 : vector<16xf32>
        %mul3A_605 = arith.mulf %add3A_604, %get3A_562 : vector<16xf32>
        %swap3A_606 = arith.index_cast %scan3A_28 : i32 to index
        %swap3A_607 = arith.constant 672 : index
        %swap3A_608 = tpu.vector_load %arg14[%swap3A_606, %swap3A_607] {strides = array<i32>} : memref<40x768xf32, #tpu.memory_space<vmem>>, vector<1x16xf32>,
        %swap3A_609 = vector.shape_cast %swap3A_608 : vector<1x16xf32> to vector<16xf32>
        %swap3A_610 = vector.shape_cast %mul3A_605 : vector<16xf32> to vector<1x16xf32>
        tpu.vector_store %arg14[%swap3A_606, %swap3A_607], %swap3A_610 {strides = array<i32>} : memref<40x768xf32, #tpu.memory_space<vmem>>, vector<1x16xf32>,
        %get3A_611 = arith.index_cast %scan3A_28 : i32 to index
        %get3A_612 = arith.constant 176 : index
        %get3A_613 = tpu.vector_load %arg12[%get3A_611, %get3A_612] {strides = array<i32>} : memref<40x256xf32, #tpu.memory_space<vmem>>, vector<1x16xf32>,
        %get3A_614 = vector.shape_cast %get3A_613 : vector<1x16xf32> to vector<16xf32>
        %get3A_615 = arith.index_cast %scan3A_28 : i32 to index
        %get3A_616 = arith.constant 176 : index
        %get3A_617 = tpu.vector_load %arg10[%get3A_615, %get3A_616] {strides = array<i32>} : memref<40x768xf32, #tpu.memory_space<vmem>>, vector<1x16xf32>,
        %get3A_618 = vector.shape_cast %get3A_617 : vector<1x16xf32> to vector<16xf32>
        %get3A_619 = arith.index_cast %scan3A_28 : i32 to index
        %get3A_620 = arith.constant 176 : index
        %get3A_621 = tpu.vector_load %arg11[%get3A_619, %get3A_620] {strides = array<i32>} : memref<40x768xf32, #tpu.memory_space<vmem>>, vector<1x16xf32>,
        %get3A_622 = vector.shape_cast %get3A_621 : vector<1x16xf32> to vector<16xf32>
        %add3A_623 = arith.addf %get3A_618, %get3A_622 : vector<16xf32>
        %add3A_624 = arith.addf %add3A_623, %get3A_31 : vector<16xf32>
        %mul3A_625 = arith.mulf %add3A_624, %get3A_614 : vector<16xf32>
        %swap3A_626 = arith.index_cast %scan3A_28 : i32 to index
        %swap3A_627 = arith.constant 176 : index
        %swap3A_628 = tpu.vector_load %arg14[%swap3A_626, %swap3A_627] {strides = array<i32>} : memref<40x768xf32, #tpu.memory_space<vmem>>, vector<1x16xf32>,
        %swap3A_629 = vector.shape_cast %swap3A_628 : vector<1x16xf32> to vector<16xf32>
        %swap3A_630 = vector.shape_cast %mul3A_625 : vector<16xf32> to vector<1x16xf32>
        tpu.vector_store %arg14[%swap3A_626, %swap3A_627], %swap3A_630 {strides = array<i32>} : memref<40x768xf32, #tpu.memory_space<vmem>>, vector<1x16xf32>,
        %get3A_631 = arith.index_cast %scan3A_28 : i32 to index
        %get3A_632 = arith.constant 432 : index
        %get3A_633 = tpu.vector_load %arg10[%get3A_631, %get3A_632] {strides = array<i32>} : memref<40x768xf32, #tpu.memory_space<vmem>>, vector<1x16xf32>,
        %get3A_634 = vector.shape_cast %get3A_633 : vector<1x16xf32> to vector<16xf32>
        %get3A_635 = arith.index_cast %scan3A_28 : i32 to index
        %get3A_636 = arith.constant 432 : index
        %get3A_637 = tpu.vector_load %arg11[%get3A_635, %get3A_636] {strides = array<i32>} : memref<40x768xf32, #tpu.memory_space<vmem>>, vector<1x16xf32>,
        %get3A_638 = vector.shape_cast %get3A_637 : vector<1x16xf32> to vector<16xf32>
        %add3A_639 = arith.addf %get3A_634, %get3A_638 : vector<16xf32>
        %add3A_640 = arith.addf %add3A_639, %get3A_35 : vector<16xf32>
        %mul3A_641 = arith.mulf %add3A_640, %get3A_614 : vector<16xf32>
        %swap3A_642 = arith.index_cast %scan3A_28 : i32 to index
        %swap3A_643 = arith.constant 432 : index
        %swap3A_644 = tpu.vector_load %arg14[%swap3A_642, %swap3A_643] {strides = array<i32>} : memref<40x768xf32, #tpu.memory_space<vmem>>, vector<1x16xf32>,
        %swap3A_645 = vector.shape_cast %swap3A_644 : vector<1x16xf32> to vector<16xf32>
        %swap3A_646 = vector.shape_cast %mul3A_641 : vector<16xf32> to vector<1x16xf32>
        tpu.vector_store %arg14[%swap3A_642, %swap3A_643], %swap3A_646 {strides = array<i32>} : memref<40x768xf32, #tpu.memory_space<vmem>>, vector<1x16xf32>,
        %get3A_647 = arith.index_cast %scan3A_28 : i32 to index
        %get3A_648 = arith.constant 688 : index
        %get3A_649 = tpu.vector_load %arg10[%get3A_647, %get3A_648] {strides = array<i32>} : memref<40x768xf32, #tpu.memory_space<vmem>>, vector<1x16xf32>,
        %get3A_650 = vector.shape_cast %get3A_649 : vector<1x16xf32> to vector<16xf32>
        %get3A_651 = arith.index_cast %scan3A_28 : i32 to index
        %get3A_652 = arith.constant 688 : index
        %get3A_653 = tpu.vector_load %arg11[%get3A_651, %get3A_652] {strides = array<i32>} : memref<40x768xf32, #tpu.memory_space<vmem>>, vector<1x16xf32>,
        %get3A_654 = vector.shape_cast %get3A_653 : vector<1x16xf32> to vector<16xf32>
        %add3A_655 = arith.addf %get3A_650, %get3A_654 : vector<16xf32>
        %add3A_656 = arith.addf %add3A_655, %get3A_39 : vector<16xf32>
        %mul3A_657 = arith.mulf %add3A_656, %get3A_614 : vector<16xf32>
        %swap3A_658 = arith.index_cast %scan3A_28 : i32 to index
        %swap3A_659 = arith.constant 688 : index
        %swap3A_660 = tpu.vector_load %arg14[%swap3A_658, %swap3A_659] {strides = array<i32>} : memref<40x768xf32, #tpu.memory_space<vmem>>, vector<1x16xf32>,
        %swap3A_661 = vector.shape_cast %swap3A_660 : vector<1x16xf32> to vector<16xf32>
        %swap3A_662 = vector.shape_cast %mul3A_657 : vector<16xf32> to vector<1x16xf32>
        tpu.vector_store %arg14[%swap3A_658, %swap3A_659], %swap3A_662 {strides = array<i32>} : memref<40x768xf32, #tpu.memory_space<vmem>>, vector<1x16xf32>,
        %get3A_663 = arith.index_cast %scan3A_28 : i32 to index
        %get3A_664 = arith.constant 192 : index
        %get3A_665 = tpu.vector_load %arg12[%get3A_663, %get3A_664] {strides = array<i32>} : memref<40x256xf32, #tpu.memory_space<vmem>>, vector<1x16xf32>,
        %get3A_666 = vector.shape_cast %get3A_665 : vector<1x16xf32> to vector<16xf32>
        %get3A_667 = arith.index_cast %scan3A_28 : i32 to index
        %get3A_668 = arith.constant 192 : index
        %get3A_669 = tpu.vector_load %arg10[%get3A_667, %get3A_668] {strides = array<i32>} : memref<40x768xf32, #tpu.memory_space<vmem>>, vector<1x16xf32>,
        %get3A_670 = vector.shape_cast %get3A_669 : vector<1x16xf32> to vector<16xf32>
        %get3A_671 = arith.index_cast %scan3A_28 : i32 to index
        %get3A_672 = arith.constant 192 : index
        %get3A_673 = tpu.vector_load %arg11[%get3A_671, %get3A_672] {strides = array<i32>} : memref<40x768xf32, #tpu.memory_space<vmem>>, vector<1x16xf32>,
        %get3A_674 = vector.shape_cast %get3A_673 : vector<1x16xf32> to vector<16xf32>
        %add3A_675 = arith.addf %get3A_670, %get3A_674 : vector<16xf32>
        %add3A_676 = arith.addf %add3A_675, %get3A_31 : vector<16xf32>
        %mul3A_677 = arith.mulf %add3A_676, %get3A_666 : vector<16xf32>
        %swap3A_678 = arith.index_cast %scan3A_28 : i32 to index
        %swap3A_679 = arith.constant 192 : index
        %swap3A_680 = tpu.vector_load %arg14[%swap3A_678, %swap3A_679] {strides = array<i32>} : memref<40x768xf32, #tpu.memory_space<vmem>>, vector<1x16xf32>,
        %swap3A_681 = vector.shape_cast %swap3A_680 : vector<1x16xf32> to vector<16xf32>
        %swap3A_682 = vector.shape_cast %mul3A_677 : vector<16xf32> to vector<1x16xf32>
        tpu.vector_store %arg14[%swap3A_678, %swap3A_679], %swap3A_682 {strides = array<i32>} : memref<40x768xf32, #tpu.memory_space<vmem>>, vector<1x16xf32>,
        %get3A_683 = arith.index_cast %scan3A_28 : i32 to index
        %get3A_684 = arith.constant 448 : index
        %get3A_685 = tpu.vector_load %arg10[%get3A_683, %get3A_684] {strides = array<i32>} : memref<40x768xf32, #tpu.memory_space<vmem>>, vector<1x16xf32>,
        %get3A_686 = vector.shape_cast %get3A_685 : vector<1x16xf32> to vector<16xf32>
        %get3A_687 = arith.index_cast %scan3A_28 : i32 to index
        %get3A_688 = arith.constant 448 : index
        %get3A_689 = tpu.vector_load %arg11[%get3A_687, %get3A_688] {strides = array<i32>} : memref<40x768xf32, #tpu.memory_space<vmem>>, vector<1x16xf32>,
        %get3A_690 = vector.shape_cast %get3A_689 : vector<1x16xf32> to vector<16xf32>
        %add3A_691 = arith.addf %get3A_686, %get3A_690 : vector<16xf32>
        %add3A_692 = arith.addf %add3A_691, %get3A_35 : vector<16xf32>
        %mul3A_693 = arith.mulf %add3A_692, %get3A_666 : vector<16xf32>
        %swap3A_694 = arith.index_cast %scan3A_28 : i32 to index
        %swap3A_695 = arith.constant 448 : index
        %swap3A_696 = tpu.vector_load %arg14[%swap3A_694, %swap3A_695] {strides = array<i32>} : memref<40x768xf32, #tpu.memory_space<vmem>>, vector<1x16xf32>,
        %swap3A_697 = vector.shape_cast %swap3A_696 : vector<1x16xf32> to vector<16xf32>
        %swap3A_698 = vector.shape_cast %mul3A_693 : vector<16xf32> to vector<1x16xf32>
        tpu.vector_store %arg14[%swap3A_694, %swap3A_695], %swap3A_698 {strides = array<i32>} : memref<40x768xf32, #tpu.memory_space<vmem>>, vector<1x16xf32>,
        %get3A_699 = arith.index_cast %scan3A_28 : i32 to index
        %get3A_700 = arith.constant 704 : index
        %get3A_701 = tpu.vector_load %arg10[%get3A_699, %get3A_700] {strides = array<i32>} : memref<40x768xf32, #tpu.memory_space<vmem>>, vector<1x16xf32>,
        %get3A_702 = vector.shape_cast %get3A_701 : vector<1x16xf32> to vector<16xf32>
        %get3A_703 = arith.index_cast %scan3A_28 : i32 to index
        %get3A_704 = arith.constant 704 : index
        %get3A_705 = tpu.vector_load %arg11[%get3A_703, %get3A_704] {strides = array<i32>} : memref<40x768xf32, #tpu.memory_space<vmem>>, vector<1x16xf32>,
        %get3A_706 = vector.shape_cast %get3A_705 : vector<1x16xf32> to vector<16xf32>
        %add3A_707 = arith.addf %get3A_702, %get3A_706 : vector<16xf32>
        %add3A_708 = arith.addf %add3A_707, %get3A_39 : vector<16xf32>
        %mul3A_709 = arith.mulf %add3A_708, %get3A_666 : vector<16xf32>
        %swap3A_710 = arith.index_cast %scan3A_28 : i32 to index
        %swap3A_711 = arith.constant 704 : index
        %swap3A_712 = tpu.vector_load %arg14[%swap3A_710, %swap3A_711] {strides = array<i32>} : memref<40x768xf32, #tpu.memory_space<vmem>>, vector<1x16xf32>,
        %swap3A_713 = vector.shape_cast %swap3A_712 : vector<1x16xf32> to vector<16xf32>
        %swap3A_714 = vector.shape_cast %mul3A_709 : vector<16xf32> to vector<1x16xf32>
        tpu.vector_store %arg14[%swap3A_710, %swap3A_711], %swap3A_714 {strides = array<i32>} : memref<40x768xf32, #tpu.memory_space<vmem>>, vector<1x16xf32>,
        %get3A_715 = arith.index_cast %scan3A_28 : i32 to index
        %get3A_716 = arith.constant 208 : index
        %get3A_717 = tpu.vector_load %arg12[%get3A_715, %get3A_716] {strides = array<i32>} : memref<40x256xf32, #tpu.memory_space<vmem>>, vector<1x16xf32>,
        %get3A_718 = vector.shape_cast %get3A_717 : vector<1x16xf32> to vector<16xf32>
        %get3A_719 = arith.index_cast %scan3A_28 : i32 to index
        %get3A_720 = arith.constant 208 : index
        %get3A_721 = tpu.vector_load %arg10[%get3A_719, %get3A_720] {strides = array<i32>} : memref<40x768xf32, #tpu.memory_space<vmem>>, vector<1x16xf32>,
        %get3A_722 = vector.shape_cast %get3A_721 : vector<1x16xf32> to vector<16xf32>
        %get3A_723 = arith.index_cast %scan3A_28 : i32 to index
        %get3A_724 = arith.constant 208 : index
        %get3A_725 = tpu.vector_load %arg11[%get3A_723, %get3A_724] {strides = array<i32>} : memref<40x768xf32, #tpu.memory_space<vmem>>, vector<1x16xf32>,
        %get3A_726 = vector.shape_cast %get3A_725 : vector<1x16xf32> to vector<16xf32>
        %add3A_727 = arith.addf %get3A_722, %get3A_726 : vector<16xf32>
        %add3A_728 = arith.addf %add3A_727, %get3A_31 : vector<16xf32>
        %mul3A_729 = arith.mulf %add3A_728, %get3A_718 : vector<16xf32>
        %swap3A_730 = arith.index_cast %scan3A_28 : i32 to index
        %swap3A_731 = arith.constant 208 : index
        %swap3A_732 = tpu.vector_load %arg14[%swap3A_730, %swap3A_731] {strides = array<i32>} : memref<40x768xf32, #tpu.memory_space<vmem>>, vector<1x16xf32>,
        %swap3A_733 = vector.shape_cast %swap3A_732 : vector<1x16xf32> to vector<16xf32>
        %swap3A_734 = vector.shape_cast %mul3A_729 : vector<16xf32> to vector<1x16xf32>
        tpu.vector_store %arg14[%swap3A_730, %swap3A_731], %swap3A_734 {strides = array<i32>} : memref<40x768xf32, #tpu.memory_space<vmem>>, vector<1x16xf32>,
        %get3A_735 = arith.index_cast %scan3A_28 : i32 to index
        %get3A_736 = arith.constant 464 : index
        %get3A_737 = tpu.vector_load %arg10[%get3A_735, %get3A_736] {strides = array<i32>} : memref<40x768xf32, #tpu.memory_space<vmem>>, vector<1x16xf32>,
        %get3A_738 = vector.shape_cast %get3A_737 : vector<1x16xf32> to vector<16xf32>
        %get3A_739 = arith.index_cast %scan3A_28 : i32 to index
        %get3A_740 = arith.constant 464 : index
        %get3A_741 = tpu.vector_load %arg11[%get3A_739, %get3A_740] {strides = array<i32>} : memref<40x768xf32, #tpu.memory_space<vmem>>, vector<1x16xf32>,
        %get3A_742 = vector.shape_cast %get3A_741 : vector<1x16xf32> to vector<16xf32>
        %add3A_743 = arith.addf %get3A_738, %get3A_742 : vector<16xf32>
        %add3A_744 = arith.addf %add3A_743, %get3A_35 : vector<16xf32>
        %mul3A_745 = arith.mulf %add3A_744, %get3A_718 : vector<16xf32>
        %swap3A_746 = arith.index_cast %scan3A_28 : i32 to index
        %swap3A_747 = arith.constant 464 : index
        %swap3A_748 = tpu.vector_load %arg14[%swap3A_746, %swap3A_747] {strides = array<i32>} : memref<40x768xf32, #tpu.memory_space<vmem>>, vector<1x16xf32>,
        %swap3A_749 = vector.shape_cast %swap3A_748 : vector<1x16xf32> to vector<16xf32>
        %swap3A_750 = vector.shape_cast %mul3A_745 : vector<16xf32> to vector<1x16xf32>
        tpu.vector_store %arg14[%swap3A_746, %swap3A_747], %swap3A_750 {strides = array<i32>} : memref<40x768xf32, #tpu.memory_space<vmem>>, vector<1x16xf32>,
        %get3A_751 = arith.index_cast %scan3A_28 : i32 to index
        %get3A_752 = arith.constant 720 : index
        %get3A_753 = tpu.vector_load %arg10[%get3A_751, %get3A_752] {strides = array<i32>} : memref<40x768xf32, #tpu.memory_space<vmem>>, vector<1x16xf32>,
        %get3A_754 = vector.shape_cast %get3A_753 : vector<1x16xf32> to vector<16xf32>
        %get3A_755 = arith.index_cast %scan3A_28 : i32 to index
        %get3A_756 = arith.constant 720 : index
        %get3A_757 = tpu.vector_load %arg11[%get3A_755, %get3A_756] {strides = array<i32>} : memref<40x768xf32, #tpu.memory_space<vmem>>, vector<1x16xf32>,
        %get3A_758 = vector.shape_cast %get3A_757 : vector<1x16xf32> to vector<16xf32>
        %add3A_759 = arith.addf %get3A_754, %get3A_758 : vector<16xf32>
        %add3A_760 = arith.addf %add3A_759, %get3A_39 : vector<16xf32>
        %mul3A_761 = arith.mulf %add3A_760, %get3A_718 : vector<16xf32>
        %swap3A_762 = arith.index_cast %scan3A_28 : i32 to index
        %swap3A_763 = arith.constant 720 : index
        %swap3A_764 = tpu.vector_load %arg14[%swap3A_762, %swap3A_763] {strides = array<i32>} : memref<40x768xf32, #tpu.memory_space<vmem>>, vector<1x16xf32>,
        %swap3A_765 = vector.shape_cast %swap3A_764 : vector<1x16xf32> to vector<16xf32>
        %swap3A_766 = vector.shape_cast %mul3A_761 : vector<16xf32> to vector<1x16xf32>
        tpu.vector_store %arg14[%swap3A_762, %swap3A_763], %swap3A_766 {strides = array<i32>} : memref<40x768xf32, #tpu.memory_space<vmem>>, vector<1x16xf32>,
        %get3A_767 = arith.index_cast %scan3A_28 : i32 to index
        %get3A_768 = arith.constant 224 : index
        %get3A_769 = tpu.vector_load %arg12[%get3A_767, %get3A_768] {strides = array<i32>} : memref<40x256xf32, #tpu.memory_space<vmem>>, vector<1x16xf32>,
        %get3A_770 = vector.shape_cast %get3A_769 : vector<1x16xf32> to vector<16xf32>
        %get3A_771 = arith.index_cast %scan3A_28 : i32 to index
        %get3A_772 = arith.constant 224 : index
        %get3A_773 = tpu.vector_load %arg10[%get3A_771, %get3A_772] {strides = array<i32>} : memref<40x768xf32, #tpu.memory_space<vmem>>, vector<1x16xf32>,
        %get3A_774 = vector.shape_cast %get3A_773 : vector<1x16xf32> to vector<16xf32>
        %get3A_775 = arith.index_cast %scan3A_28 : i32 to index
        %get3A_776 = arith.constant 224 : index
        %get3A_777 = tpu.vector_load %arg11[%get3A_775, %get3A_776] {strides = array<i32>} : memref<40x768xf32, #tpu.memory_space<vmem>>, vector<1x16xf32>,
        %get3A_778 = vector.shape_cast %get3A_777 : vector<1x16xf32> to vector<16xf32>
        %add3A_779 = arith.addf %get3A_774, %get3A_778 : vector<16xf32>
        %add3A_780 = arith.addf %add3A_779, %get3A_31 : vector<16xf32>
        %mul3A_781 = arith.mulf %add3A_780, %get3A_770 : vector<16xf32>
        %swap3A_782 = arith.index_cast %scan3A_28 : i32 to index
        %swap3A_783 = arith.constant 224 : index
        %swap3A_784 = tpu.vector_load %arg14[%swap3A_782, %swap3A_783] {strides = array<i32>} : memref<40x768xf32, #tpu.memory_space<vmem>>, vector<1x16xf32>,
        %swap3A_785 = vector.shape_cast %swap3A_784 : vector<1x16xf32> to vector<16xf32>
        %swap3A_786 = vector.shape_cast %mul3A_781 : vector<16xf32> to vector<1x16xf32>
        tpu.vector_store %arg14[%swap3A_782, %swap3A_783], %swap3A_786 {strides = array<i32>} : memref<40x768xf32, #tpu.memory_space<vmem>>, vector<1x16xf32>,
        %get3A_787 = arith.index_cast %scan3A_28 : i32 to index
        %get3A_788 = arith.constant 480 : index
        %get3A_789 = tpu.vector_load %arg10[%get3A_787, %get3A_788] {strides = array<i32>} : memref<40x768xf32, #tpu.memory_space<vmem>>, vector<1x16xf32>,
        %get3A_790 = vector.shape_cast %get3A_789 : vector<1x16xf32> to vector<16xf32>
        %get3A_791 = arith.index_cast %scan3A_28 : i32 to index
        %get3A_792 = arith.constant 480 : index
        %get3A_793 = tpu.vector_load %arg11[%get3A_791, %get3A_792] {strides = array<i32>} : memref<40x768xf32, #tpu.memory_space<vmem>>, vector<1x16xf32>,
        %get3A_794 = vector.shape_cast %get3A_793 : vector<1x16xf32> to vector<16xf32>
        %add3A_795 = arith.addf %get3A_790, %get3A_794 : vector<16xf32>
        %add3A_796 = arith.addf %add3A_795, %get3A_35 : vector<16xf32>
        %mul3A_797 = arith.mulf %add3A_796, %get3A_770 : vector<16xf32>
        %swap3A_798 = arith.index_cast %scan3A_28 : i32 to index
        %swap3A_799 = arith.constant 480 : index
        %swap3A_800 = tpu.vector_load %arg14[%swap3A_798, %swap3A_799] {strides = array<i32>} : memref<40x768xf32, #tpu.memory_space<vmem>>, vector<1x16xf32>,
        %swap3A_801 = vector.shape_cast %swap3A_800 : vector<1x16xf32> to vector<16xf32>
        %swap3A_802 = vector.shape_cast %mul3A_797 : vector<16xf32> to vector<1x16xf32>
        tpu.vector_store %arg14[%swap3A_798, %swap3A_799], %swap3A_802 {strides = array<i32>} : memref<40x768xf32, #tpu.memory_space<vmem>>, vector<1x16xf32>,
        %get3A_803 = arith.index_cast %scan3A_28 : i32 to index
        %get3A_804 = arith.constant 736 : index
        %get3A_805 = tpu.vector_load %arg10[%get3A_803, %get3A_804] {strides = array<i32>} : memref<40x768xf32, #tpu.memory_space<vmem>>, vector<1x16xf32>,
        %get3A_806 = vector.shape_cast %get3A_805 : vector<1x16xf32> to vector<16xf32>
        %get3A_807 = arith.index_cast %scan3A_28 : i32 to index
        %get3A_808 = arith.constant 736 : index
        %get3A_809 = tpu.vector_load %arg11[%get3A_807, %get3A_808] {strides = array<i32>} : memref<40x768xf32, #tpu.memory_space<vmem>>, vector<1x16xf32>,
        %get3A_810 = vector.shape_cast %get3A_809 : vector<1x16xf32> to vector<16xf32>
        %add3A_811 = arith.addf %get3A_806, %get3A_810 : vector<16xf32>
        %add3A_812 = arith.addf %add3A_811, %get3A_39 : vector<16xf32>
        %mul3A_813 = arith.mulf %add3A_812, %get3A_770 : vector<16xf32>
        %swap3A_814 = arith.index_cast %scan3A_28 : i32 to index
        %swap3A_815 = arith.constant 736 : index
        %swap3A_816 = tpu.vector_load %arg14[%swap3A_814, %swap3A_815] {strides = array<i32>} : memref<40x768xf32, #tpu.memory_space<vmem>>, vector<1x16xf32>,
        %swap3A_817 = vector.shape_cast %swap3A_816 : vector<1x16xf32> to vector<16xf32>
        %swap3A_818 = vector.shape_cast %mul3A_813 : vector<16xf32> to vector<1x16xf32>
        tpu.vector_store %arg14[%swap3A_814, %swap3A_815], %swap3A_818 {strides = array<i32>} : memref<40x768xf32, #tpu.memory_space<vmem>>, vector<1x16xf32>,
        %get3A_819 = arith.index_cast %scan3A_28 : i32 to index
        %get3A_820 = arith.constant 240 : index
        %get3A_821 = tpu.vector_load %arg12[%get3A_819, %get3A_820] {strides = array<i32>} : memref<40x256xf32, #tpu.memory_space<vmem>>, vector<1x16xf32>,
        %get3A_822 = vector.shape_cast %get3A_821 : vector<1x16xf32> to vector<16xf32>
        %get3A_823 = arith.index_cast %scan3A_28 : i32 to index
        %get3A_824 = arith.constant 240 : index
        %get3A_825 = tpu.vector_load %arg10[%get3A_823, %get3A_824] {strides = array<i32>} : memref<40x768xf32, #tpu.memory_space<vmem>>, vector<1x16xf32>,
        %get3A_826 = vector.shape_cast %get3A_825 : vector<1x16xf32> to vector<16xf32>
        %get3A_827 = arith.index_cast %scan3A_28 : i32 to index
        %get3A_828 = arith.constant 240 : index
        %get3A_829 = tpu.vector_load %arg11[%get3A_827, %get3A_828] {strides = array<i32>} : memref<40x768xf32, #tpu.memory_space<vmem>>, vector<1x16xf32>,
        %get3A_830 = vector.shape_cast %get3A_829 : vector<1x16xf32> to vector<16xf32>
        %add3A_831 = arith.addf %get3A_826, %get3A_830 : vector<16xf32>
        %add3A_832 = arith.addf %add3A_831, %get3A_31 : vector<16xf32>
        %mul3A_833 = arith.mulf %add3A_832, %get3A_822 : vector<16xf32>
        %swap3A_834 = arith.index_cast %scan3A_28 : i32 to index
        %swap3A_835 = arith.constant 240 : index
        %swap3A_836 = tpu.vector_load %arg14[%swap3A_834, %swap3A_835] {strides = array<i32>} : memref<40x768xf32, #tpu.memory_space<vmem>>, vector<1x16xf32>,
        %swap3A_837 = vector.shape_cast %swap3A_836 : vector<1x16xf32> to vector<16xf32>
        %swap3A_838 = vector.shape_cast %mul3A_833 : vector<16xf32> to vector<1x16xf32>
        tpu.vector_store %arg14[%swap3A_834, %swap3A_835], %swap3A_838 {strides = array<i32>} : memref<40x768xf32, #tpu.memory_space<vmem>>, vector<1x16xf32>,
        %get3A_839 = arith.index_cast %scan3A_28 : i32 to index
        %get3A_840 = arith.constant 496 : index
        %get3A_841 = tpu.vector_load %arg10[%get3A_839, %get3A_840] {strides = array<i32>} : memref<40x768xf32, #tpu.memory_space<vmem>>, vector<1x16xf32>,
        %get3A_842 = vector.shape_cast %get3A_841 : vector<1x16xf32> to vector<16xf32>
        %get3A_843 = arith.index_cast %scan3A_28 : i32 to index
        %get3A_844 = arith.constant 496 : index
        %get3A_845 = tpu.vector_load %arg11[%get3A_843, %get3A_844] {strides = array<i32>} : memref<40x768xf32, #tpu.memory_space<vmem>>, vector<1x16xf32>,
        %get3A_846 = vector.shape_cast %get3A_845 : vector<1x16xf32> to vector<16xf32>
        %add3A_847 = arith.addf %get3A_842, %get3A_846 : vector<16xf32>
        %add3A_848 = arith.addf %add3A_847, %get3A_35 : vector<16xf32>
        %mul3A_849 = arith.mulf %add3A_848, %get3A_822 : vector<16xf32>
        %swap3A_850 = arith.index_cast %scan3A_28 : i32 to index
        %swap3A_851 = arith.constant 496 : index
        %swap3A_852 = tpu.vector_load %arg14[%swap3A_850, %swap3A_851] {strides = array<i32>} : memref<40x768xf32, #tpu.memory_space<vmem>>, vector<1x16xf32>,
        %swap3A_853 = vector.shape_cast %swap3A_852 : vector<1x16xf32> to vector<16xf32>
        %swap3A_854 = vector.shape_cast %mul3A_849 : vector<16xf32> to vector<1x16xf32>
        tpu.vector_store %arg14[%swap3A_850, %swap3A_851], %swap3A_854 {strides = array<i32>} : memref<40x768xf32, #tpu.memory_space<vmem>>, vector<1x16xf32>,
        %get3A_855 = arith.index_cast %scan3A_28 : i32 to index
        %get3A_856 = arith.constant 752 : index
        %get3A_857 = tpu.vector_load %arg10[%get3A_855, %get3A_856] {strides = array<i32>} : memref<40x768xf32, #tpu.memory_space<vmem>>, vector<1x16xf32>,
        %get3A_858 = vector.shape_cast %get3A_857 : vector<1x16xf32> to vector<16xf32>
        %get3A_859 = arith.index_cast %scan3A_28 : i32 to index
        %get3A_860 = arith.constant 752 : index
        %get3A_861 = tpu.vector_load %arg11[%get3A_859, %get3A_860] {strides = array<i32>} : memref<40x768xf32, #tpu.memory_space<vmem>>, vector<1x16xf32>,
        %get3A_862 = vector.shape_cast %get3A_861 : vector<1x16xf32> to vector<16xf32>
        %add3A_863 = arith.addf %get3A_858, %get3A_862 : vector<16xf32>
        %add3A_864 = arith.addf %add3A_863, %get3A_39 : vector<16xf32>
        %mul3A_865 = arith.mulf %add3A_864, %get3A_822 : vector<16xf32>
        %swap3A_866 = arith.index_cast %scan3A_28 : i32 to index
        %swap3A_867 = arith.constant 752 : index
        %swap3A_868 = tpu.vector_load %arg14[%swap3A_866, %swap3A_867] {strides = array<i32>} : memref<40x768xf32, #tpu.memory_space<vmem>>, vector<1x16xf32>,
        %swap3A_869 = vector.shape_cast %swap3A_868 : vector<1x16xf32> to vector<16xf32>
        %swap3A_870 = vector.shape_cast %mul3A_865 : vector<16xf32> to vector<1x16xf32>
        tpu.vector_store %arg14[%swap3A_866, %swap3A_867], %swap3A_870 {strides = array<i32>} : memref<40x768xf32, #tpu.memory_space<vmem>>, vector<1x16xf32>,
      }
      %scan3A_27 = arith.constant 40 : i32
      "tpu.region"() ({
        %run_scoped3A = tpu.sem_alloc : memref<!tpu.dma_semaphore, #tpu.memory_space<semaphore_mem>>
        %dma_start3A_28 = arith.constant 0 : i32
        %dma_start3A_29 = tpu.memref_slice %arg7[%add3A_11, %dma_start3A_28] : memref<160000x768xf32, #tpu.memory_space<hbm>> -> memref<40x768xf32, #tpu.memory_space<hbm>>
        %dma_start3A_30 = arith.constant 0 : i32
        %dma_start3A_31 = tpu.memref_slice %arg7[%add3A_11, %dma_start3A_30] : memref<160000x768xf32, #tpu.memory_space<hbm>> -> memref<40x768xf32, #tpu.memory_space<hbm>>
        tpu.enqueue_dma source(%arg14 : memref<40x768xf32, #tpu.memory_space<vmem>>) target(%dma_start3A_31 : memref<40x768xf32, #tpu.memory_space<hbm>>) target_semaphore(%run_scoped3A : memref<!tpu.dma_semaphore, #tpu.memory_space<semaphore_mem>>)
        %dma_wait3A_32 = arith.constant 0 : i32
        %dma_wait3A_33 = tpu.memref_slice %arg7[%add3A_11, %dma_wait3A_32] : memref<160000x768xf32, #tpu.memory_space<hbm>> -> memref<40x768xf32, #tpu.memory_space<hbm>>
        %dma_wait3A_34 = arith.constant 0 : i32
        %dma_wait3A_35 = tpu.memref_slice %arg7[%add3A_11, %dma_wait3A_34] : memref<160000x768xf32, #tpu.memory_space<hbm>> -> memref<40x768xf32, #tpu.memory_space<hbm>>
        tpu.wait_dma2 semaphore(%run_scoped3A : memref<!tpu.dma_semaphore, #tpu.memory_space<semaphore_mem>>) src(%arg14 : memref<40x768xf32, #tpu.memory_space<vmem>>) dst(%dma_wait3A_35 : memref<40x768xf32, #tpu.memory_space<hbm>>)
        tpu.yield
      }) : () -> ()
    }
    %scan3A_7 = arith.constant 125 : i32
    return
  }
}

module attributes {stable_mosaic.version = 14 : i64} {
  func.func @_mm_body(%arg0: i32, %arg1: memref<3000x256xf32, #tpu.memory_space<vmem>>, %arg2: memref<256x256xf32, #tpu.memory_space<vmem>>, %arg3: memref<3000x256xf32, #tpu.memory_space<vmem>>) attributes {dimension_semantics = [#tpu.dimension_semantics<arbitrary>], iteration_bounds = array<i64: 10>, scalar_prefetch = 0 : i64, scratch_operands = 0 : i64, tpu.core_type = #tpu.core_type<tc>, window_params = [{transform_indices = @transform_0, window_bounds = array<i64: 3000, 256>}, {pipeline_mode = #tpu.pipeline_mode<synchronous>, transform_indices = @transform_1, window_bounds = array<i64: 256, 256>}, {transform_indices = @transform_2, window_bounds = array<i64: 3000, 256>}]} {
    %get3A = arith.constant 0 : index
    %get3A_0 = arith.constant 0 : index
    %get3A_1 = vector.load %arg1[%get3A, %get3A_0] : memref<3000x256xf32, #tpu.memory_space<vmem>>, vector<3000x256xf32>
    %get3A_2 = arith.constant 0 : index
    %get3A_3 = arith.constant 0 : index
    %get3A_4 = vector.load %arg2[%get3A_2, %get3A_3] : memref<256x256xf32, #tpu.memory_space<vmem>>, vector<256x256xf32>
    %dot_general3A = arith.constant dense<0.000000e+00> : vector<3000x256xf32>
    %dot_general3A_5 = tpu.matmul %get3A_1, %get3A_4, %dot_general3A {dimension_numbers = #tpu.dot_dimension_numbers<[1], [1], [0], [0], [0, 0, 1, 0], [], []>, transpose_lhs_hint = false} : vector<3000x256xf32>, vector<256x256xf32>, vector<3000x256xf32> -> vector<3000x256xf32>
    %swap3A = arith.constant 0 : index
    %swap3A_6 = arith.constant 0 : index
    %swap3A_7 = vector.load %arg3[%swap3A, %swap3A_6] : memref<3000x256xf32, #tpu.memory_space<vmem>>, vector<3000x256xf32>
    tpu.vector_store %arg3[%swap3A, %swap3A_6], %dot_general3A_5 {strides = array<i32>} : memref<3000x256xf32, #tpu.memory_space<vmem>>, vector<3000x256xf32>,
    return
  }
  func.func @transform_0(%arg0: i32) -> (i32, i32) {
    %c0_i32 = arith.constant 0 : i32
    %c0_i32_0 = arith.constant 0 : i32
    return %arg0, %c0_i32 : i32, i32
  }
  func.func @transform_1(%arg0: i32) -> (i32, i32) {
    %c0_i32 = arith.constant 0 : i32
    %c0_i32_0 = arith.constant 0 : i32
    %c0_i32_1 = arith.constant 0 : i32
    return %c0_i32, %c0_i32_0 : i32, i32
  }
  func.func @transform_2(%arg0: i32) -> (i32, i32) {
    %c0_i32 = arith.constant 0 : i32
    %c0_i32_0 = arith.constant 0 : i32
    return %arg0, %c0_i32 : i32, i32
  }
}

module attributes {stable_mosaic.version = 14 : i64} {
  func.func @_scat_body(%arg0: i32, %arg1: memref<1x1x640xi32, #tpu.memory_space<smem>>, %arg2: memref<1920x128xf32, #tpu.memory_space<vmem>>, %arg3: memref<80000x128xf32, #tpu.memory_space<vmem>>) attributes {dimension_semantics = [#tpu.dimension_semantics<arbitrary>], iteration_bounds = array<i64: 250>, scalar_prefetch = 0 : i64, scratch_operands = 0 : i64, tpu.core_type = #tpu.core_type<tc>, window_params = [{transform_indices = @transform_0, window_bounds = array<i64: 1, 1, 640>}, {transform_indices = @transform_1, window_bounds = array<i64: 1920, 128>}, {pipeline_mode = #tpu.pipeline_mode<synchronous>, transform_indices = @transform_2, window_bounds = array<i64: 80000, 128>}]} {
    %eq3A = arith.constant 0 : i32
    %eq3A_0 = arith.cmpi eq, %arg0, %eq3A : i32
    %convert_element_type3A = arith.extui %eq3A_0 : i1 to i32
    %cond3A = arith.constant 0 : i32
    %cond3A_1 = arith.cmpi ne, %convert_element_type3A, %cond3A : i32
    scf.if %cond3A_1 {
      %broadcast_in_dim3A = arith.constant 0.000000e+00 : f32
      %broadcast_in_dim3A_6 = vector.broadcast %broadcast_in_dim3A : f32 to vector<80000x128xf32>
      %swap3A = arith.constant 0 : index
      %swap3A_7 = arith.constant 0 : index
      %swap3A_8 = vector.load %arg3[%swap3A, %swap3A_7] : memref<80000x128xf32, #tpu.memory_space<vmem>>, vector<80000x128xf32>
      tpu.vector_store %arg3[%swap3A, %swap3A_7], %broadcast_in_dim3A_6 {strides = array<i32>} : memref<80000x128xf32, #tpu.memory_space<vmem>>, vector<80000x128xf32>,
    } else {
    }
    %scan3A = arith.constant 0 : i32
    %scan3A_2 = arith.constant 80 : i32
    %scan3A_3 = arith.addi %scan3A, %scan3A_2 : i32
    %scan3A_4 = arith.constant 1 : i32
    scf.for %scan3A_6 = %scan3A to %scan3A_3 step %scan3A_4  : i32 {
      %mul3A = arith.constant 24 : i32
      %mul3A_7 = arith.muli %mul3A, %scan3A_6 : i32
      %multiple_of3A = tpu.assume_multiple %mul3A_7, 8 : i32
      %get3A = arith.index_cast %multiple_of3A : i32 to index
      %get3A_8 = arith.constant 0 : index
      %get3A_9 = vector.load %arg2[%get3A, %get3A_8] : memref<1920x128xf32, #tpu.memory_space<vmem>>, vector<24x128xf32>
      %mul3A_10 = arith.constant 8 : i32
      %mul3A_11 = arith.muli %mul3A_10, %scan3A_6 : i32
      %add3A = arith.constant 0 : i32
      %add3A_12 = arith.addi %mul3A_11, %add3A : i32
      %get3A_13 = arith.constant 0 : index
      %get3A_14 = arith.constant 0 : index
      %get3A_15 = arith.index_cast %add3A_12 : i32 to index
      %get3A_16 = memref.load %arg1[%get3A_13, %get3A_14, %get3A_15] : memref<1x1x640xi32, #tpu.memory_space<smem>>
      %mul3A_17 = arith.constant 8 : i32
      %mul3A_18 = arith.muli %mul3A_17, %get3A_16 : i32
      %multiple_of3A_19 = tpu.assume_multiple %mul3A_18, 8 : i32
      %get3A_20 = arith.index_cast %multiple_of3A_19 : i32 to index
      %get3A_21 = arith.constant 0 : index
      %get3A_22 = vector.load %arg3[%get3A_20, %get3A_21] : memref<80000x128xf32, #tpu.memory_space<vmem>>, vector<3x128xf32>
      %slice3A = vector.extract_strided_slice %get3A_9 {offsets = [0, 0], sizes = [3, 128], strides = [1, 1]} : vector<24x128xf32> to vector<3x128xf32>
      %add3A_23 = arith.addf %get3A_22, %slice3A : vector<3x128xf32>
      %swap3A = arith.index_cast %multiple_of3A_19 : i32 to index
      %swap3A_24 = arith.constant 0 : index
      %swap3A_25 = vector.load %arg3[%swap3A, %swap3A_24] : memref<80000x128xf32, #tpu.memory_space<vmem>>, vector<3x128xf32>
      tpu.vector_store %arg3[%swap3A, %swap3A_24], %add3A_23 {strides = array<i32>} : memref<80000x128xf32, #tpu.memory_space<vmem>>, vector<3x128xf32>,
      %mul3A_26 = arith.constant 8 : i32
      %mul3A_27 = arith.muli %mul3A_26, %scan3A_6 : i32
      %add3A_28 = arith.constant 1 : i32
      %add3A_29 = arith.addi %mul3A_27, %add3A_28 : i32
      %get3A_30 = arith.constant 0 : index
      %get3A_31 = arith.constant 0 : index
      %get3A_32 = arith.index_cast %add3A_29 : i32 to index
      %get3A_33 = memref.load %arg1[%get3A_30, %get3A_31, %get3A_32] : memref<1x1x640xi32, #tpu.memory_space<smem>>
      %mul3A_34 = arith.constant 8 : i32
      %mul3A_35 = arith.muli %mul3A_34, %get3A_33 : i32
      %multiple_of3A_36 = tpu.assume_multiple %mul3A_35, 8 : i32
      %get3A_37 = arith.index_cast %multiple_of3A_36 : i32 to index
      %get3A_38 = arith.constant 0 : index
      %get3A_39 = vector.load %arg3[%get3A_37, %get3A_38] : memref<80000x128xf32, #tpu.memory_space<vmem>>, vector<3x128xf32>
      %slice3A_40 = vector.extract_strided_slice %get3A_9 {offsets = [3, 0], sizes = [3, 128], strides = [1, 1]} : vector<24x128xf32> to vector<3x128xf32>
      %add3A_41 = arith.addf %get3A_39, %slice3A_40 : vector<3x128xf32>
      %swap3A_42 = arith.index_cast %multiple_of3A_36 : i32 to index
      %swap3A_43 = arith.constant 0 : index
      %swap3A_44 = vector.load %arg3[%swap3A_42, %swap3A_43] : memref<80000x128xf32, #tpu.memory_space<vmem>>, vector<3x128xf32>
      tpu.vector_store %arg3[%swap3A_42, %swap3A_43], %add3A_41 {strides = array<i32>} : memref<80000x128xf32, #tpu.memory_space<vmem>>, vector<3x128xf32>,
      %mul3A_45 = arith.constant 8 : i32
      %mul3A_46 = arith.muli %mul3A_45, %scan3A_6 : i32
      %add3A_47 = arith.constant 2 : i32
      %add3A_48 = arith.addi %mul3A_46, %add3A_47 : i32
      %get3A_49 = arith.constant 0 : index
      %get3A_50 = arith.constant 0 : index
      %get3A_51 = arith.index_cast %add3A_48 : i32 to index
      %get3A_52 = memref.load %arg1[%get3A_49, %get3A_50, %get3A_51] : memref<1x1x640xi32, #tpu.memory_space<smem>>
      %mul3A_53 = arith.constant 8 : i32
      %mul3A_54 = arith.muli %mul3A_53, %get3A_52 : i32
      %multiple_of3A_55 = tpu.assume_multiple %mul3A_54, 8 : i32
      %get3A_56 = arith.index_cast %multiple_of3A_55 : i32 to index
      %get3A_57 = arith.constant 0 : index
      %get3A_58 = vector.load %arg3[%get3A_56, %get3A_57] : memref<80000x128xf32, #tpu.memory_space<vmem>>, vector<3x128xf32>
      %slice3A_59 = vector.extract_strided_slice %get3A_9 {offsets = [6, 0], sizes = [3, 128], strides = [1, 1]} : vector<24x128xf32> to vector<3x128xf32>
      %add3A_60 = arith.addf %get3A_58, %slice3A_59 : vector<3x128xf32>
      %swap3A_61 = arith.index_cast %multiple_of3A_55 : i32 to index
      %swap3A_62 = arith.constant 0 : index
      %swap3A_63 = vector.load %arg3[%swap3A_61, %swap3A_62] : memref<80000x128xf32, #tpu.memory_space<vmem>>, vector<3x128xf32>
      tpu.vector_store %arg3[%swap3A_61, %swap3A_62], %add3A_60 {strides = array<i32>} : memref<80000x128xf32, #tpu.memory_space<vmem>>, vector<3x128xf32>,
      %mul3A_64 = arith.constant 8 : i32
      %mul3A_65 = arith.muli %mul3A_64, %scan3A_6 : i32
      %add3A_66 = arith.constant 3 : i32
      %add3A_67 = arith.addi %mul3A_65, %add3A_66 : i32
      %get3A_68 = arith.constant 0 : index
      %get3A_69 = arith.constant 0 : index
      %get3A_70 = arith.index_cast %add3A_67 : i32 to index
      %get3A_71 = memref.load %arg1[%get3A_68, %get3A_69, %get3A_70] : memref<1x1x640xi32, #tpu.memory_space<smem>>
      %mul3A_72 = arith.constant 8 : i32
      %mul3A_73 = arith.muli %mul3A_72, %get3A_71 : i32
      %multiple_of3A_74 = tpu.assume_multiple %mul3A_73, 8 : i32
      %get3A_75 = arith.index_cast %multiple_of3A_74 : i32 to index
      %get3A_76 = arith.constant 0 : index
      %get3A_77 = vector.load %arg3[%get3A_75, %get3A_76] : memref<80000x128xf32, #tpu.memory_space<vmem>>, vector<3x128xf32>
      %slice3A_78 = vector.extract_strided_slice %get3A_9 {offsets = [9, 0], sizes = [3, 128], strides = [1, 1]} : vector<24x128xf32> to vector<3x128xf32>
      %add3A_79 = arith.addf %get3A_77, %slice3A_78 : vector<3x128xf32>
      %swap3A_80 = arith.index_cast %multiple_of3A_74 : i32 to index
      %swap3A_81 = arith.constant 0 : index
      %swap3A_82 = vector.load %arg3[%swap3A_80, %swap3A_81] : memref<80000x128xf32, #tpu.memory_space<vmem>>, vector<3x128xf32>
      tpu.vector_store %arg3[%swap3A_80, %swap3A_81], %add3A_79 {strides = array<i32>} : memref<80000x128xf32, #tpu.memory_space<vmem>>, vector<3x128xf32>,
      %mul3A_83 = arith.constant 8 : i32
      %mul3A_84 = arith.muli %mul3A_83, %scan3A_6 : i32
      %add3A_85 = arith.constant 4 : i32
      %add3A_86 = arith.addi %mul3A_84, %add3A_85 : i32
      %get3A_87 = arith.constant 0 : index
      %get3A_88 = arith.constant 0 : index
      %get3A_89 = arith.index_cast %add3A_86 : i32 to index
      %get3A_90 = memref.load %arg1[%get3A_87, %get3A_88, %get3A_89] : memref<1x1x640xi32, #tpu.memory_space<smem>>
      %mul3A_91 = arith.constant 8 : i32
      %mul3A_92 = arith.muli %mul3A_91, %get3A_90 : i32
      %multiple_of3A_93 = tpu.assume_multiple %mul3A_92, 8 : i32
      %get3A_94 = arith.index_cast %multiple_of3A_93 : i32 to index
      %get3A_95 = arith.constant 0 : index
      %get3A_96 = vector.load %arg3[%get3A_94, %get3A_95] : memref<80000x128xf32, #tpu.memory_space<vmem>>, vector<3x128xf32>
      %slice3A_97 = vector.extract_strided_slice %get3A_9 {offsets = [12, 0], sizes = [3, 128], strides = [1, 1]} : vector<24x128xf32> to vector<3x128xf32>
      %add3A_98 = arith.addf %get3A_96, %slice3A_97 : vector<3x128xf32>
      %swap3A_99 = arith.index_cast %multiple_of3A_93 : i32 to index
      %swap3A_100 = arith.constant 0 : index
      %swap3A_101 = vector.load %arg3[%swap3A_99, %swap3A_100] : memref<80000x128xf32, #tpu.memory_space<vmem>>, vector<3x128xf32>
      tpu.vector_store %arg3[%swap3A_99, %swap3A_100], %add3A_98 {strides = array<i32>} : memref<80000x128xf32, #tpu.memory_space<vmem>>, vector<3x128xf32>,
      %mul3A_102 = arith.constant 8 : i32
      %mul3A_103 = arith.muli %mul3A_102, %scan3A_6 : i32
      %add3A_104 = arith.constant 5 : i32
      %add3A_105 = arith.addi %mul3A_103, %add3A_104 : i32
      %get3A_106 = arith.constant 0 : index
      %get3A_107 = arith.constant 0 : index
      %get3A_108 = arith.index_cast %add3A_105 : i32 to index
      %get3A_109 = memref.load %arg1[%get3A_106, %get3A_107, %get3A_108] : memref<1x1x640xi32, #tpu.memory_space<smem>>
      %mul3A_110 = arith.constant 8 : i32
      %mul3A_111 = arith.muli %mul3A_110, %get3A_109 : i32
      %multiple_of3A_112 = tpu.assume_multiple %mul3A_111, 8 : i32
      %get3A_113 = arith.index_cast %multiple_of3A_112 : i32 to index
      %get3A_114 = arith.constant 0 : index
      %get3A_115 = vector.load %arg3[%get3A_113, %get3A_114] : memref<80000x128xf32, #tpu.memory_space<vmem>>, vector<3x128xf32>
      %slice3A_116 = vector.extract_strided_slice %get3A_9 {offsets = [15, 0], sizes = [3, 128], strides = [1, 1]} : vector<24x128xf32> to vector<3x128xf32>
      %add3A_117 = arith.addf %get3A_115, %slice3A_116 : vector<3x128xf32>
      %swap3A_118 = arith.index_cast %multiple_of3A_112 : i32 to index
      %swap3A_119 = arith.constant 0 : index
      %swap3A_120 = vector.load %arg3[%swap3A_118, %swap3A_119] : memref<80000x128xf32, #tpu.memory_space<vmem>>, vector<3x128xf32>
      tpu.vector_store %arg3[%swap3A_118, %swap3A_119], %add3A_117 {strides = array<i32>} : memref<80000x128xf32, #tpu.memory_space<vmem>>, vector<3x128xf32>,
      %mul3A_121 = arith.constant 8 : i32
      %mul3A_122 = arith.muli %mul3A_121, %scan3A_6 : i32
      %add3A_123 = arith.constant 6 : i32
      %add3A_124 = arith.addi %mul3A_122, %add3A_123 : i32
      %get3A_125 = arith.constant 0 : index
      %get3A_126 = arith.constant 0 : index
      %get3A_127 = arith.index_cast %add3A_124 : i32 to index
      %get3A_128 = memref.load %arg1[%get3A_125, %get3A_126, %get3A_127] : memref<1x1x640xi32, #tpu.memory_space<smem>>
      %mul3A_129 = arith.constant 8 : i32
      %mul3A_130 = arith.muli %mul3A_129, %get3A_128 : i32
      %multiple_of3A_131 = tpu.assume_multiple %mul3A_130, 8 : i32
      %get3A_132 = arith.index_cast %multiple_of3A_131 : i32 to index
      %get3A_133 = arith.constant 0 : index
      %get3A_134 = vector.load %arg3[%get3A_132, %get3A_133] : memref<80000x128xf32, #tpu.memory_space<vmem>>, vector<3x128xf32>
      %slice3A_135 = vector.extract_strided_slice %get3A_9 {offsets = [18, 0], sizes = [3, 128], strides = [1, 1]} : vector<24x128xf32> to vector<3x128xf32>
      %add3A_136 = arith.addf %get3A_134, %slice3A_135 : vector<3x128xf32>
      %swap3A_137 = arith.index_cast %multiple_of3A_131 : i32 to index
      %swap3A_138 = arith.constant 0 : index
      %swap3A_139 = vector.load %arg3[%swap3A_137, %swap3A_138] : memref<80000x128xf32, #tpu.memory_space<vmem>>, vector<3x128xf32>
      tpu.vector_store %arg3[%swap3A_137, %swap3A_138], %add3A_136 {strides = array<i32>} : memref<80000x128xf32, #tpu.memory_space<vmem>>, vector<3x128xf32>,
      %mul3A_140 = arith.constant 8 : i32
      %mul3A_141 = arith.muli %mul3A_140, %scan3A_6 : i32
      %add3A_142 = arith.constant 7 : i32
      %add3A_143 = arith.addi %mul3A_141, %add3A_142 : i32
      %get3A_144 = arith.constant 0 : index
      %get3A_145 = arith.constant 0 : index
      %get3A_146 = arith.index_cast %add3A_143 : i32 to index
      %get3A_147 = memref.load %arg1[%get3A_144, %get3A_145, %get3A_146] : memref<1x1x640xi32, #tpu.memory_space<smem>>
      %mul3A_148 = arith.constant 8 : i32
      %mul3A_149 = arith.muli %mul3A_148, %get3A_147 : i32
      %multiple_of3A_150 = tpu.assume_multiple %mul3A_149, 8 : i32
      %get3A_151 = arith.index_cast %multiple_of3A_150 : i32 to index
      %get3A_152 = arith.constant 0 : index
      %get3A_153 = vector.load %arg3[%get3A_151, %get3A_152] : memref<80000x128xf32, #tpu.memory_space<vmem>>, vector<3x128xf32>
      %slice3A_154 = vector.extract_strided_slice %get3A_9 {offsets = [21, 0], sizes = [3, 128], strides = [1, 1]} : vector<24x128xf32> to vector<3x128xf32>
      %add3A_155 = arith.addf %get3A_153, %slice3A_154 : vector<3x128xf32>
      %swap3A_156 = arith.index_cast %multiple_of3A_150 : i32 to index
      %swap3A_157 = arith.constant 0 : index
      %swap3A_158 = vector.load %arg3[%swap3A_156, %swap3A_157] : memref<80000x128xf32, #tpu.memory_space<vmem>>, vector<3x128xf32>
      tpu.vector_store %arg3[%swap3A_156, %swap3A_157], %add3A_155 {strides = array<i32>} : memref<80000x128xf32, #tpu.memory_space<vmem>>, vector<3x128xf32>,
    }
    %scan3A_5 = arith.constant 80 : i32
    return
  }
  func.func @transform_0(%arg0: i32) -> (i32, i32, i32) {
    %c0_i32 = arith.constant 0 : i32
    %c0_i32_0 = arith.constant 0 : i32
    %c0_i32_1 = arith.constant 0 : i32
    return %arg0, %c0_i32, %c0_i32_0 : i32, i32, i32
  }
  func.func @transform_1(%arg0: i32) -> (i32, i32) {
    %c0_i32 = arith.constant 0 : i32
    %c0_i32_0 = arith.constant 0 : i32
    return %arg0, %c0_i32 : i32, i32
  }
  func.func @transform_2(%arg0: i32) -> (i32, i32) {
    %c0_i32 = arith.constant 0 : i32
    %c0_i32_0 = arith.constant 0 : i32
    %c0_i32_1 = arith.constant 0 : i32
    return %c0_i32, %c0_i32_0 : i32, i32
  }
}

module attributes {stable_mosaic.version = 14 : i64} {
  func.func @_scat_body(%arg0: i32, %arg1: memref<1x1x640xi32, #tpu.memory_space<smem>>, %arg2: memref<1920x128xf32, #tpu.memory_space<vmem>>, %arg3: memref<80000x128xf32, #tpu.memory_space<vmem>>) attributes {dimension_semantics = [#tpu.dimension_semantics<arbitrary>], iteration_bounds = array<i64: 250>, scalar_prefetch = 0 : i64, scratch_operands = 0 : i64, tpu.core_type = #tpu.core_type<tc>, window_params = [{transform_indices = @transform_0, window_bounds = array<i64: 1, 1, 640>}, {transform_indices = @transform_1, window_bounds = array<i64: 1920, 128>}, {pipeline_mode = #tpu.pipeline_mode<synchronous>, transform_indices = @transform_2, window_bounds = array<i64: 80000, 128>}]} {
    %eq3A = arith.constant 0 : i32
    %eq3A_0 = arith.cmpi eq, %arg0, %eq3A : i32
    %convert_element_type3A = arith.extui %eq3A_0 : i1 to i32
    %cond3A = arith.constant 0 : i32
    %cond3A_1 = arith.cmpi ne, %convert_element_type3A, %cond3A : i32
    scf.if %cond3A_1 {
      %broadcast_in_dim3A = arith.constant 0.000000e+00 : f32
      %broadcast_in_dim3A_6 = vector.broadcast %broadcast_in_dim3A : f32 to vector<80000x128xf32>
      %swap3A = arith.constant 0 : index
      %swap3A_7 = arith.constant 0 : index
      %swap3A_8 = vector.load %arg3[%swap3A, %swap3A_7] : memref<80000x128xf32, #tpu.memory_space<vmem>>, vector<80000x128xf32>
      tpu.vector_store %arg3[%swap3A, %swap3A_7], %broadcast_in_dim3A_6 {strides = array<i32>} : memref<80000x128xf32, #tpu.memory_space<vmem>>, vector<80000x128xf32>,
    } else {
    }
    %scan3A = arith.constant 0 : i32
    %scan3A_2 = arith.constant 80 : i32
    %scan3A_3 = arith.addi %scan3A, %scan3A_2 : i32
    %scan3A_4 = arith.constant 1 : i32
    scf.for %scan3A_6 = %scan3A to %scan3A_3 step %scan3A_4  : i32 {
      %mul3A = arith.constant 24 : i32
      %mul3A_7 = arith.muli %mul3A, %scan3A_6 : i32
      %multiple_of3A = tpu.assume_multiple %mul3A_7, 8 : i32
      %get3A = arith.index_cast %multiple_of3A : i32 to index
      %get3A_8 = arith.constant 0 : index
      %get3A_9 = vector.load %arg2[%get3A, %get3A_8] : memref<1920x128xf32, #tpu.memory_space<vmem>>, vector<24x128xf32>
      %mul3A_10 = arith.constant 8 : i32
      %mul3A_11 = arith.muli %mul3A_10, %scan3A_6 : i32
      %add3A = arith.constant 0 : i32
      %add3A_12 = arith.addi %mul3A_11, %add3A : i32
      %get3A_13 = arith.constant 0 : index
      %get3A_14 = arith.constant 0 : index
      %get3A_15 = arith.index_cast %add3A_12 : i32 to index
      %get3A_16 = memref.load %arg1[%get3A_13, %get3A_14, %get3A_15] : memref<1x1x640xi32, #tpu.memory_space<smem>>
      %mul3A_17 = arith.constant 8 : i32
      %mul3A_18 = arith.muli %mul3A_17, %get3A_16 : i32
      %multiple_of3A_19 = tpu.assume_multiple %mul3A_18, 8 : i32
      %get3A_20 = arith.index_cast %multiple_of3A_19 : i32 to index
      %get3A_21 = arith.constant 0 : index
      %get3A_22 = vector.load %arg3[%get3A_20, %get3A_21] : memref<80000x128xf32, #tpu.memory_space<vmem>>, vector<3x128xf32>
      %slice3A = vector.extract_strided_slice %get3A_9 {offsets = [0, 0], sizes = [3, 128], strides = [1, 1]} : vector<24x128xf32> to vector<3x128xf32>
      %add3A_23 = arith.addf %get3A_22, %slice3A : vector<3x128xf32>
      %swap3A = arith.index_cast %multiple_of3A_19 : i32 to index
      %swap3A_24 = arith.constant 0 : index
      %swap3A_25 = vector.load %arg3[%swap3A, %swap3A_24] : memref<80000x128xf32, #tpu.memory_space<vmem>>, vector<3x128xf32>
      tpu.vector_store %arg3[%swap3A, %swap3A_24], %add3A_23 {strides = array<i32>} : memref<80000x128xf32, #tpu.memory_space<vmem>>, vector<3x128xf32>,
      %mul3A_26 = arith.constant 8 : i32
      %mul3A_27 = arith.muli %mul3A_26, %scan3A_6 : i32
      %add3A_28 = arith.constant 1 : i32
      %add3A_29 = arith.addi %mul3A_27, %add3A_28 : i32
      %get3A_30 = arith.constant 0 : index
      %get3A_31 = arith.constant 0 : index
      %get3A_32 = arith.index_cast %add3A_29 : i32 to index
      %get3A_33 = memref.load %arg1[%get3A_30, %get3A_31, %get3A_32] : memref<1x1x640xi32, #tpu.memory_space<smem>>
      %mul3A_34 = arith.constant 8 : i32
      %mul3A_35 = arith.muli %mul3A_34, %get3A_33 : i32
      %multiple_of3A_36 = tpu.assume_multiple %mul3A_35, 8 : i32
      %get3A_37 = arith.index_cast %multiple_of3A_36 : i32 to index
      %get3A_38 = arith.constant 0 : index
      %get3A_39 = vector.load %arg3[%get3A_37, %get3A_38] : memref<80000x128xf32, #tpu.memory_space<vmem>>, vector<3x128xf32>
      %slice3A_40 = vector.extract_strided_slice %get3A_9 {offsets = [3, 0], sizes = [3, 128], strides = [1, 1]} : vector<24x128xf32> to vector<3x128xf32>
      %add3A_41 = arith.addf %get3A_39, %slice3A_40 : vector<3x128xf32>
      %swap3A_42 = arith.index_cast %multiple_of3A_36 : i32 to index
      %swap3A_43 = arith.constant 0 : index
      %swap3A_44 = vector.load %arg3[%swap3A_42, %swap3A_43] : memref<80000x128xf32, #tpu.memory_space<vmem>>, vector<3x128xf32>
      tpu.vector_store %arg3[%swap3A_42, %swap3A_43], %add3A_41 {strides = array<i32>} : memref<80000x128xf32, #tpu.memory_space<vmem>>, vector<3x128xf32>,
      %mul3A_45 = arith.constant 8 : i32
      %mul3A_46 = arith.muli %mul3A_45, %scan3A_6 : i32
      %add3A_47 = arith.constant 2 : i32
      %add3A_48 = arith.addi %mul3A_46, %add3A_47 : i32
      %get3A_49 = arith.constant 0 : index
      %get3A_50 = arith.constant 0 : index
      %get3A_51 = arith.index_cast %add3A_48 : i32 to index
      %get3A_52 = memref.load %arg1[%get3A_49, %get3A_50, %get3A_51] : memref<1x1x640xi32, #tpu.memory_space<smem>>
      %mul3A_53 = arith.constant 8 : i32
      %mul3A_54 = arith.muli %mul3A_53, %get3A_52 : i32
      %multiple_of3A_55 = tpu.assume_multiple %mul3A_54, 8 : i32
      %get3A_56 = arith.index_cast %multiple_of3A_55 : i32 to index
      %get3A_57 = arith.constant 0 : index
      %get3A_58 = vector.load %arg3[%get3A_56, %get3A_57] : memref<80000x128xf32, #tpu.memory_space<vmem>>, vector<3x128xf32>
      %slice3A_59 = vector.extract_strided_slice %get3A_9 {offsets = [6, 0], sizes = [3, 128], strides = [1, 1]} : vector<24x128xf32> to vector<3x128xf32>
      %add3A_60 = arith.addf %get3A_58, %slice3A_59 : vector<3x128xf32>
      %swap3A_61 = arith.index_cast %multiple_of3A_55 : i32 to index
      %swap3A_62 = arith.constant 0 : index
      %swap3A_63 = vector.load %arg3[%swap3A_61, %swap3A_62] : memref<80000x128xf32, #tpu.memory_space<vmem>>, vector<3x128xf32>
      tpu.vector_store %arg3[%swap3A_61, %swap3A_62], %add3A_60 {strides = array<i32>} : memref<80000x128xf32, #tpu.memory_space<vmem>>, vector<3x128xf32>,
      %mul3A_64 = arith.constant 8 : i32
      %mul3A_65 = arith.muli %mul3A_64, %scan3A_6 : i32
      %add3A_66 = arith.constant 3 : i32
      %add3A_67 = arith.addi %mul3A_65, %add3A_66 : i32
      %get3A_68 = arith.constant 0 : index
      %get3A_69 = arith.constant 0 : index
      %get3A_70 = arith.index_cast %add3A_67 : i32 to index
      %get3A_71 = memref.load %arg1[%get3A_68, %get3A_69, %get3A_70] : memref<1x1x640xi32, #tpu.memory_space<smem>>
      %mul3A_72 = arith.constant 8 : i32
      %mul3A_73 = arith.muli %mul3A_72, %get3A_71 : i32
      %multiple_of3A_74 = tpu.assume_multiple %mul3A_73, 8 : i32
      %get3A_75 = arith.index_cast %multiple_of3A_74 : i32 to index
      %get3A_76 = arith.constant 0 : index
      %get3A_77 = vector.load %arg3[%get3A_75, %get3A_76] : memref<80000x128xf32, #tpu.memory_space<vmem>>, vector<3x128xf32>
      %slice3A_78 = vector.extract_strided_slice %get3A_9 {offsets = [9, 0], sizes = [3, 128], strides = [1, 1]} : vector<24x128xf32> to vector<3x128xf32>
      %add3A_79 = arith.addf %get3A_77, %slice3A_78 : vector<3x128xf32>
      %swap3A_80 = arith.index_cast %multiple_of3A_74 : i32 to index
      %swap3A_81 = arith.constant 0 : index
      %swap3A_82 = vector.load %arg3[%swap3A_80, %swap3A_81] : memref<80000x128xf32, #tpu.memory_space<vmem>>, vector<3x128xf32>
      tpu.vector_store %arg3[%swap3A_80, %swap3A_81], %add3A_79 {strides = array<i32>} : memref<80000x128xf32, #tpu.memory_space<vmem>>, vector<3x128xf32>,
      %mul3A_83 = arith.constant 8 : i32
      %mul3A_84 = arith.muli %mul3A_83, %scan3A_6 : i32
      %add3A_85 = arith.constant 4 : i32
      %add3A_86 = arith.addi %mul3A_84, %add3A_85 : i32
      %get3A_87 = arith.constant 0 : index
      %get3A_88 = arith.constant 0 : index
      %get3A_89 = arith.index_cast %add3A_86 : i32 to index
      %get3A_90 = memref.load %arg1[%get3A_87, %get3A_88, %get3A_89] : memref<1x1x640xi32, #tpu.memory_space<smem>>
      %mul3A_91 = arith.constant 8 : i32
      %mul3A_92 = arith.muli %mul3A_91, %get3A_90 : i32
      %multiple_of3A_93 = tpu.assume_multiple %mul3A_92, 8 : i32
      %get3A_94 = arith.index_cast %multiple_of3A_93 : i32 to index
      %get3A_95 = arith.constant 0 : index
      %get3A_96 = vector.load %arg3[%get3A_94, %get3A_95] : memref<80000x128xf32, #tpu.memory_space<vmem>>, vector<3x128xf32>
      %slice3A_97 = vector.extract_strided_slice %get3A_9 {offsets = [12, 0], sizes = [3, 128], strides = [1, 1]} : vector<24x128xf32> to vector<3x128xf32>
      %add3A_98 = arith.addf %get3A_96, %slice3A_97 : vector<3x128xf32>
      %swap3A_99 = arith.index_cast %multiple_of3A_93 : i32 to index
      %swap3A_100 = arith.constant 0 : index
      %swap3A_101 = vector.load %arg3[%swap3A_99, %swap3A_100] : memref<80000x128xf32, #tpu.memory_space<vmem>>, vector<3x128xf32>
      tpu.vector_store %arg3[%swap3A_99, %swap3A_100], %add3A_98 {strides = array<i32>} : memref<80000x128xf32, #tpu.memory_space<vmem>>, vector<3x128xf32>,
      %mul3A_102 = arith.constant 8 : i32
      %mul3A_103 = arith.muli %mul3A_102, %scan3A_6 : i32
      %add3A_104 = arith.constant 5 : i32
      %add3A_105 = arith.addi %mul3A_103, %add3A_104 : i32
      %get3A_106 = arith.constant 0 : index
      %get3A_107 = arith.constant 0 : index
      %get3A_108 = arith.index_cast %add3A_105 : i32 to index
      %get3A_109 = memref.load %arg1[%get3A_106, %get3A_107, %get3A_108] : memref<1x1x640xi32, #tpu.memory_space<smem>>
      %mul3A_110 = arith.constant 8 : i32
      %mul3A_111 = arith.muli %mul3A_110, %get3A_109 : i32
      %multiple_of3A_112 = tpu.assume_multiple %mul3A_111, 8 : i32
      %get3A_113 = arith.index_cast %multiple_of3A_112 : i32 to index
      %get3A_114 = arith.constant 0 : index
      %get3A_115 = vector.load %arg3[%get3A_113, %get3A_114] : memref<80000x128xf32, #tpu.memory_space<vmem>>, vector<3x128xf32>
      %slice3A_116 = vector.extract_strided_slice %get3A_9 {offsets = [15, 0], sizes = [3, 128], strides = [1, 1]} : vector<24x128xf32> to vector<3x128xf32>
      %add3A_117 = arith.addf %get3A_115, %slice3A_116 : vector<3x128xf32>
      %swap3A_118 = arith.index_cast %multiple_of3A_112 : i32 to index
      %swap3A_119 = arith.constant 0 : index
      %swap3A_120 = vector.load %arg3[%swap3A_118, %swap3A_119] : memref<80000x128xf32, #tpu.memory_space<vmem>>, vector<3x128xf32>
      tpu.vector_store %arg3[%swap3A_118, %swap3A_119], %add3A_117 {strides = array<i32>} : memref<80000x128xf32, #tpu.memory_space<vmem>>, vector<3x128xf32>,
      %mul3A_121 = arith.constant 8 : i32
      %mul3A_122 = arith.muli %mul3A_121, %scan3A_6 : i32
      %add3A_123 = arith.constant 6 : i32
      %add3A_124 = arith.addi %mul3A_122, %add3A_123 : i32
      %get3A_125 = arith.constant 0 : index
      %get3A_126 = arith.constant 0 : index
      %get3A_127 = arith.index_cast %add3A_124 : i32 to index
      %get3A_128 = memref.load %arg1[%get3A_125, %get3A_126, %get3A_127] : memref<1x1x640xi32, #tpu.memory_space<smem>>
      %mul3A_129 = arith.constant 8 : i32
      %mul3A_130 = arith.muli %mul3A_129, %get3A_128 : i32
      %multiple_of3A_131 = tpu.assume_multiple %mul3A_130, 8 : i32
      %get3A_132 = arith.index_cast %multiple_of3A_131 : i32 to index
      %get3A_133 = arith.constant 0 : index
      %get3A_134 = vector.load %arg3[%get3A_132, %get3A_133] : memref<80000x128xf32, #tpu.memory_space<vmem>>, vector<3x128xf32>
      %slice3A_135 = vector.extract_strided_slice %get3A_9 {offsets = [18, 0], sizes = [3, 128], strides = [1, 1]} : vector<24x128xf32> to vector<3x128xf32>
      %add3A_136 = arith.addf %get3A_134, %slice3A_135 : vector<3x128xf32>
      %swap3A_137 = arith.index_cast %multiple_of3A_131 : i32 to index
      %swap3A_138 = arith.constant 0 : index
      %swap3A_139 = vector.load %arg3[%swap3A_137, %swap3A_138] : memref<80000x128xf32, #tpu.memory_space<vmem>>, vector<3x128xf32>
      tpu.vector_store %arg3[%swap3A_137, %swap3A_138], %add3A_136 {strides = array<i32>} : memref<80000x128xf32, #tpu.memory_space<vmem>>, vector<3x128xf32>,
      %mul3A_140 = arith.constant 8 : i32
      %mul3A_141 = arith.muli %mul3A_140, %scan3A_6 : i32
      %add3A_142 = arith.constant 7 : i32
      %add3A_143 = arith.addi %mul3A_141, %add3A_142 : i32
      %get3A_144 = arith.constant 0 : index
      %get3A_145 = arith.constant 0 : index
      %get3A_146 = arith.index_cast %add3A_143 : i32 to index
      %get3A_147 = memref.load %arg1[%get3A_144, %get3A_145, %get3A_146] : memref<1x1x640xi32, #tpu.memory_space<smem>>
      %mul3A_148 = arith.constant 8 : i32
      %mul3A_149 = arith.muli %mul3A_148, %get3A_147 : i32
      %multiple_of3A_150 = tpu.assume_multiple %mul3A_149, 8 : i32
      %get3A_151 = arith.index_cast %multiple_of3A_150 : i32 to index
      %get3A_152 = arith.constant 0 : index
      %get3A_153 = vector.load %arg3[%get3A_151, %get3A_152] : memref<80000x128xf32, #tpu.memory_space<vmem>>, vector<3x128xf32>
      %slice3A_154 = vector.extract_strided_slice %get3A_9 {offsets = [21, 0], sizes = [3, 128], strides = [1, 1]} : vector<24x128xf32> to vector<3x128xf32>
      %add3A_155 = arith.addf %get3A_153, %slice3A_154 : vector<3x128xf32>
      %swap3A_156 = arith.index_cast %multiple_of3A_150 : i32 to index
      %swap3A_157 = arith.constant 0 : index
      %swap3A_158 = vector.load %arg3[%swap3A_156, %swap3A_157] : memref<80000x128xf32, #tpu.memory_space<vmem>>, vector<3x128xf32>
      tpu.vector_store %arg3[%swap3A_156, %swap3A_157], %add3A_155 {strides = array<i32>} : memref<80000x128xf32, #tpu.memory_space<vmem>>, vector<3x128xf32>,
    }
    %scan3A_5 = arith.constant 80 : i32
    return
  }
  func.func @transform_0(%arg0: i32) -> (i32, i32, i32) {
    %c0_i32 = arith.constant 0 : i32
    %c0_i32_0 = arith.constant 0 : i32
    %c0_i32_1 = arith.constant 0 : i32
    return %arg0, %c0_i32, %c0_i32_0 : i32, i32, i32
  }
  func.func @transform_1(%arg0: i32) -> (i32, i32) {
    %c1_i32 = arith.constant 1 : i32
    %c0_i32 = arith.constant 0 : i32
    return %arg0, %c1_i32 : i32, i32
  }
  func.func @transform_2(%arg0: i32) -> (i32, i32) {
    %c0_i32 = arith.constant 0 : i32
    %c0_i32_0 = arith.constant 0 : i32
    %c0_i32_1 = arith.constant 0 : i32
    return %c0_i32, %c0_i32_0 : i32, i32
  }
}

</mosaic_0001>

<sc_bundles>
// kernel: kernel.7.cloned.1.call-start
scs
__scs_entry_jumppad:
0x0: {  	(pc) =	sbr.rel $0x88, $3  }
0x1: {  	(tag) =	ssettag $0x0;
	lr =	simm.s32 $0x1  }
0x2: {  	[smem:$0x3F9A] =	sst lr;
	_ =	strace $0xD0000000  }
0x3: {  	_ = 	snop  }
0x4: {  	_ = 	snop  }
0x5: {  	_ = 	snop  }
0x6: {  	_ = 	snop  }
0x7: {  	_ = 	snop  }
__scs_overlays_trampoline_lowered:
0x8: {  	[smem:$0x3FA9] =	sst s0  }
0x9: {  	[smem:$0x3FAA] =	sst s1  }
0xa: {  	[smem:$0x3FAB] =	sst s2  }
0xb: {  	[smem:$0x3FAC] =	sst s3  }
0xc: {  	[smem:$0x3FAD] =	sst s4  }
0xd: {  	[smem:$0x3FAE] =	sst s5  }
0xe: {  	[smem:$0x3FAF] =	sst s6  }
0xf: {  	[smem:$0x3FB0] =	sst s7  }
0x10: {  	[smem:$0x3FB1] =	sst s8  }
0x11: {  	[smem:$0x3FB2] =	sst s9;
	s0 =	simm.s32 @!p0 $0x0  }
0x12: {  	s1 =	sld [smem:$0x3F98];
	s0 =	simm.s32 @p0 $0x1  }
0x13: {  	[smem:$0x3FB3] =	sst s0;
	s0 =	simm.s32 @!p1 $0x0  }
0x14: {  	s2 =	sld [smem:$0x3F97];
	s0 =	simm.s32 @p1 $0x1  }
0x15: {  	[smem:$0x3FB4] =	sst s0;
	s0 =	simm.s32 @!p2 $0x0  }
0x16: {  	s3 =	sld [smem:$0x3FDB];
	s0 =	simm.s32 @p2 $0x1  }
0x17: {  	s4 =	simm.s32 $0x1BF5;
	[smem:$0x3FB6] =	sst s0  }
0x18: {  	s0 =	sld [smem:$0x3F99];
	_ =	swait.ge [sflag:s4], $0x0  }
0x19: {  	s7 =	sld [smem:$0x3F9A]  }
0x1a: {  	s8 =	sadd.s32 $0xFFFFE003, lr  }
0x1b: {  	s9 =	sadd.s32 $0xFFFFFEF7, lr;
	s5 =	simm.s32 $0xFFFFFFFF;
	p2 =	slt.u32 s8, $0xFFFFF086  }
0x1c: {  	p1 =	slt.u32 s9, $0xF7A;
	s5 =	simm.s32 @!p2 $0x0  }
0x1d: {  	s5 =	simm.s32 @p1 $0x1;
	p0 =	seq.s32 s7, s2  }
0x1e: {  	s7 =	smul.u32 @!p0 $0xF7A, s2;
	p2 =	seq.s32 @!p0 s5, $0x0  }
0x1f: {  	s9 =	smul.u32 $0xF7A, s1;
	s8 =	simm.s32 @!p0 $0x1BF5;
	p2 =	por !p2, p0  }
0x20: {  	[sflag:s8] =	ssyncset.s32 @!p0 $0xFFFFF086;
	s6 =	sadd.s32 @!p0 s3, s7;
	s7 =	simm.s32 @!p0 $0x108  }
0x21: {  	s3 =	sadd.s32 s3, s9;
	s6 =	sadd.s32 @!p0 $0x88, s6;
	s7 =	simm.s32 @p2 $0x1082  }
0x22: {  	[simem:s7], [sflag:s8] =	dma.local @!p0 [hbm:s6], $0xF7A  }
0x23: {  	s9 =	sor.u32 $0xD0000000, s2;
	s6 =	simm.s32 $0x108;
	_ =	swait.ge @!p0 [sflag:s8], $0x0  }
0x24: {  	s3 =	sadd.s32 $0x88, s3;
	s6 =	simm.s32 @!p1 $0x1082;
	[sflag:s4] =	ssyncset.s32 $0xFFFFF086  }
0x25: {  	[simem:s6], [sflag:s4] =	dma.local [hbm:s3], $0xF7A  }
0x26: {  	[smem:$0x3F9A] =	sst s1;
	(tag) =	ssettag s2;
	_ =	strace s9  }
0x27: {  	s1 =	sld [smem:$0x3FAA]  }
0x28: {  	s2 =	sld [smem:$0x3FAB]  }
0x29: {  	s4 =	sld [smem:$0x3FAD]  }
0x2a: {  	p0 =	seq.s32 s5, $0x0;
	s5 =	sld [smem:$0x3FAE]  }
0x2b: {  	s6 =	sld [smem:$0x3FAF]  }
0x2c: {  	s7 =	sld [smem:$0x3FB0]  }
0x2d: {  	s3 =	simm.s32 $0x108;
	s8 =	sld [smem:$0x3FB1]  }
0x2e: {  	s3 =	simm.s32 @!p0 $0x1082;
	s9 =	sld [smem:$0x3FB2]  }
0x2f: {  	lr =	sadd.s32 s0, s3;
	s0 =	sld [smem:$0x3FA9]  }
0x30: {  	s3 =	sld [smem:$0x3FAC]  }
0x31: {  	[smem:$0x3FB5] =	sst s10  }
0x32: {  	s10 =	sld [smem:$0x3FB3];
	_ =	sdelay $0x3  }
0x33: {  	p0 =	seq.s32 s10, $0x1;
	s10 =	sld [smem:$0x3FB5];
	_ =	sdelay $0x3  }
0x34: {  	[smem:$0x3FB5] =	sst s10  }
0x35: {  	s10 =	sld [smem:$0x3FB4];
	_ =	sdelay $0x3  }
0x36: {  	p1 =	seq.s32 s10, $0x1;
	s10 =	sld [smem:$0x3FB5];
	_ =	sdelay $0x3  }
0x37: {  	[smem:$0x3FB5] =	sst s10  }
0x38: {  	s10 =	sld [smem:$0x3FB6]  }
0x39: {  	_ = 	snop;
	(pc) =	sbr.ind lr, $3  }
0x3a: {  	_ = 	snop  }
0x3b: {  	_ = 	snop  }
0x3c: {  	p2 =	seq.s32 s10, $0x1;
	s10 =	sld [smem:$0x3FB5]  }
0x3d: {  	_ =	shalt  }
0x3e: {  	_ =	shalt  }
0x3f: {  	_ =	shalt  }
0x40: {  	_ =	shalt  }
0x41: {  	_ =	shalt  }
0x42: {  	_ =	shalt  }
0x43: {  	_ =	shalt  }
0x44: {  	_ =	shalt  }
0x45: {  	_ =	shalt  }
0x46: {  	_ =	shalt  }
0x47: {  	_ =	shalt  }
0x48: {  	_ =	shalt  }
0x49: {  	_ =	shalt  }
0x4a: {  	_ =	shalt  }
0x4b: {  	_ =	shalt  }
0x4c: {  	_ =	shalt  }
0x4d: {  	_ =	shalt  }
0x4e: {  	_ =	shalt  }
0x4f: {  	_ =	shalt  }
0x50: {  	_ =	shalt  }
0x51: {  	_ =	shalt  }
0x52: {  	_ =	shalt  }
0x53: {  	_ =	shalt  }
0x54: {  	_ =	shalt  }
0x55: {  	_ =	shalt  }
0x56: {  	_ =	shalt  }
0x57: {  	_ =	shalt  }
0x58: {  	_ =	shalt  }
0x59: {  	_ =	shalt  }
0x5a: {  	_ =	shalt  }
0x5b: {  	_ =	shalt  }
0x5c: {  	_ =	shalt  }
0x5d: {  	_ =	shalt  }
0x5e: {  	_ =	shalt  }
0x5f: {  	_ =	shalt  }
0x60: {  	_ =	shalt  }
0x61: {  	_ =	shalt  }
0x62: {  	_ =	shalt  }
0x63: {  	_ =	shalt  }
0x64: {  	_ =	shalt  }
0x65: {  	_ =	shalt  }
0x66: {  	_ =	shalt  }
0x67: {  	_ =	shalt  }
0x68: {  	_ =	shalt  }
0x69: {  	_ =	shalt  }
0x6a: {  	_ =	shalt  }
0x6b: {  	_ =	shalt  }
0x6c: {  	_ =	shalt  }
0x6d: {  	_ =	shalt  }
0x6e: {  	_ =	shalt  }
0x6f: {  	_ =	shalt  }
0x70: {  	_ =	shalt  }
0x71: {  	_ =	shalt  }
0x72: {  	_ =	shalt  }
0x73: {  	_ =	shalt  }
0x74: {  	_ =	shalt  }
0x75: {  	_ =	shalt  }
0x76: {  	_ =	shalt  }
0x77: {  	_ =	shalt  }
0x78: {  	_ =	shalt  }
0x79: {  	_ =	shalt  }
0x7a: {  	_ =	shalt  }
0x7b: {  	_ =	shalt  }
0x7c: {  	_ =	shalt  }
0x7d: {  	_ =	shalt  }
0x7e: {  	_ =	shalt  }
0x7f: {  	_ =	shalt  }
0x80: {  	_ =	shalt  }
0x81: {  	_ =	shalt  }
0x82: {  	_ =	shalt  }
0x83: {  	_ =	shalt  }
0x84: {  	_ =	shalt  }
0x85: {  	_ =	shalt  }
0x86: {  	_ =	shalt  }
0x87: {  	_ =	shalt  }
.Lfunc_end0:
.L_simem_size_0:
called_computation.2_lowered:
.L_overlay_start_0:
0x88: {  	s2 =	sld [smem:$0x3FD9]  }
0x89: {  	s3 =	sld [smem:$0x3FFE];
	_ =	sdelay $0x1  }
0x8a: {  	s1 =	srdreg.scid  }
0x8b: {  	s0 =	sand.u32 $0x1, s1  }
0x8c: {  	s14 =	sshll.u32 s0, $0xA;
	s2 =	sadd.s32 s3, s2  }
0x8d: {  	s2 =	sadd.s32 s2, s14  }
0x8e: {  	[smem:$0x3FC1] =	sst s2  }
0x8f: {  	_ = 	snop  }
0x90: {  	s2 =	sld [smem:$0x3FD0];
	_ =	sdelay $0x1  }
0x91: {  	s15 =	sld [smem:$0x3FC8]  }
0x92: {  	s5 =	simm.s32 $0xA;
	s6 =	simm.s32 $0x10;
	s4 =	sld [smem:$0x3FC7]  }
0x93: {  	[smem:s6], [sflag:s5] =	dma.local [hbm:s2], $0x1  }
0x94: {  	_ =	swait.eq [sflag:s5], $0x1  }
0x95: {  	[sflag:s5] =	ssyncset.done $0x0  }
0x96: {  	s16 =	sld [smem:$0x10];
	[sflag:s5] =	ssyncadd.s32 $0xFFFFFFFF  }
0x97: {  	s17 =	sld [smem:$0x11];
	(tm) =	ssettm $0x1  }
0x98: {  	s18 =	sld [smem:$0x3FFB];
	_ =	sdelay $0x3  }
0x99: {  	_ =	strace s18  }
0x9a: {  	s6 =	sld [smem:$0x3FFC];
	_ =	sdelay $0x3  }
0x9b: {  	_ =	strace s6  }
0x9c: {  	s6 =	sld [smem:$0x3FFD];
	_ =	sdelay $0x3  }
0x9d: {  	_ =	strace s6  }
0x9e: {  	_ =	strace $0x8FFFFFFF  }
0x9f: {  	s19 =	sld [smem:$0x3FDB];
	_ =	sdelay $0x1  }
0xa0: {  	s7 =	simm.s32 $_scs_section_size  }
0xa1: {  	s8 =	simm.s32 $_size__tile_overlayer_lowered;
	s9 =	simm.s32 $_tile_overlayer_lowered  }
0xa2: {  	s22 =	simm.s32 $0x1BFF;
	s21 =	sshll.u32 s9, $0x1;
	s6 =	sadd.s32 s7, s19  }
0xa3: {  	s10 =	simm.s32 $0x0;
	s20 =	sshll.u32 s8, $0x1;
	s8 =	sadd.s32 s21, s6  }
0xa4: {  	[timem:s10], [sflag:s22] =	dma.local [hbm:s8], s20  }
0xa5: {  	_ =	swait.ge [sflag:s22], s20  }
0xa6: {  	s7 =	ssub.s32 $0x0, s20;
	[sflag:s22] =	ssyncset.done $0x0  }
0xa7: {  	[sflag:s22] =	ssyncadd.s32 s7;
	_ =	sdelay $0x1  }
0xa8: {  	s23 =	simm.s32 $0x1B8B  }
0xa9: {  	_ =	swait.ge [sflag:s23], $0x1  }
0xaa: {  	[sflag:s23] =	ssyncset.done $0x0  }
0xab: {  	s25 =	simm.s32 $0x1B8E;
	s24 =	sld [smem:$0x3FFE];
	[sflag:s23] =	ssyncadd.s32 $0xFFFFFFFF  }
0xac: {  	s26 =	simm.s32 $execute0_lowered;
	[smem:$0x3FD2] =	sst s25  }
0xad: {  	s8 =	sshll.u32 s26, $0x1;
	_ =	strace $0x80000049;
	[dreg:$0x1] =	wrdreg $0xFFFFFFFF  }
0xae: {  	s28 =	simm.s32 $_size_execute0_lowered;
	s6 =	sadd.s32 s6, s8;
	[dreg:$0x0] =	wrdreg $0x0  }
0xaf: {  	s8 =	sshll.u32 s28, $0x1;
	[dreg:$0x2] =	wrdreg s6  }
0xb0: {  	[dreg:$0x3] =	wrdreg s8  }
0xb1: {  	[dreg:$0x4] =	wrdreg $0xC0  }
0xb2: {  	_ =	task [dreg:s10], $0x5FFFF  }
0xb3: {  	[dreg:$0x1] =	wrdreg $0xFFFFFFFF  }
0xb4: {  	[dreg:$0x0] =	wrdreg $0x60  }
0xb5: {  	[dreg:$0x2] =	wrdreg s16  }
0xb6: {  	[dreg:$0x3] =	wrdreg s15  }
0xb7: {  	[dreg:$0x4] =	wrdreg s4  }
0xb8: {  	[dreg:$0x5] =	wrdreg s24  }
0xb9: {  	[dreg:$0x6] =	wrdreg s17  }
0xba: {  	[dreg:$0x7] =	wrdreg $0x9  }
0xbb: {  	_ =	task.clear_ibuf [dreg:s10], $0x8FFFF;
	_ =	strace $0x90000049  }
0xbc: {  	s29 =	simm.s32 $0x9;
	_ =	strace $0x8000004B  }
0xbd: {  	_ =	swait.ge [sflag:s29], $0x1  }
0xbe: {  	[sflag:s29] =	ssyncadd.s32 $0xFFFFFFFF  }
0xbf: {  	_ =	strace $0x9000004B  }
0xc0: {  	_ =	sfence  }
0xc1: {  	s30 =	sld [smem:$0x0];
	_ =	sdelay $0x2  }
0xc2: {  	s31 =	sshll.u32 s1, $0xD;
	s1 =	sshrl.u32 s1, $0x2  }
0xc3: {  	s3 =	sand.u32 $0x4000, s31;
	s1 =	sadd.s32 s1, s30  }
0xc4: {  	s0 =	sor.u32 s3, s0;
	s1 =	sshll.u32 s1, $0x11  }
0xc5: {  	s0 =	sor.u32 s1, s0  }
0xc6: {  	s0 =	sadd.s32 $0x8F2B, s0  }
0xc7: {  	[sflag:s0] =	ssyncadd.remote.s32 $0x1  }
0xc8: {  	_ =	sfence.sel $0xFFFF  }
0xc9: {  	[dreg:$0x0] =	wrdreg $0xFFFFFFFF;
	(pc) =	sbr.abs _section_cstart, $3  }
0xca: {  	[dreg:$0x1] =	wrdreg $0xFFFFFFFF  }
0xcb: {  	_ =	task.clear_ibuf [dreg:s10], $0x2FFFF;
	_ =	strace $0x9FFFFFFF  }
0xcc: {  	(tm) =	ssettm $0x7FFFFFFF  }
0xcd: {  	_ =	shalt  }
tec
execute0_lowered:
.L_overlay_start_1:
0x0: {  	(tag) =	ssettag $0x1  }
0x1: {  	s1 =	rddreg [dreg:$0x0]  }
0x2: {  	s0 =	rddreg [dreg:$0x3]  }
0x3: {  	s2 =	simm.s32 $0x0;
	s30 =	srdreg.scid;
	s4 =	stileid.u32  }
0x4: {  	s13 =	simm.s32 $0x2;
	s5 =	simm.s32 $0x1;
	s6 =	simm.s32 $0x9900  }
0x5: {  	s14 =	simm.s32 $0xA100;
	s15 =	simm.s32 $0xA900;
	s16 =	simm.s32 $0xB100  }
0x6: {  	s17 =	simm.s32 $0xB900;
	s18 =	simm.s32 $0xC100;
	s19 =	simm.s32 $0xC900  }
0x7: {  	s20 =	simm.s32 $0xD100;
	s21 =	simm.s32 $0xD900;
	s22 =	simm.s32 $0xE100  }
0x8: {  	s23 =	simm.s32 $0xE900;
	s24 =	simm.s32 $0x12D00;
	s12 =	simm.s32 $0x0  }
0x9: {  	[smem:$0x7FF] =	sst s2;
	s2 =	sand.u32 $0x1, s30;
	s7 =	sadd.s32 $0x1800, s0  }
0xa: {  	s4 =	sshll.u32 s4, $0x1;
	s8 =	sadd.s32 $0x272800, s0;
	s3 =	ssub.s32 $0x2, s2  }
0xb: {  	s10 =	sadd.s32 $0x100, s1;
	s11 =	sadd.s32 $0x200, s1;
	s31 =	sshrl.u32 s3, $0x1  }
0xc: {  	v2 =	vlaneseq.u32;
	_ =	strace $0x8000004A;
	s2 =	sor.u32 s2, s4;
	s0 =	ssub.s32 s3, s31  }
0xd: {  	vm0 =	vmmov $0xffff;
	v1 =	vshrl.u32 v2, $0x3;
	s4 =	simm.s32 $0x9100;
	s9 =	smul.u32 $0x1388, s2;
	s0 =	smax.u32 s0, $0x1  }
0xe: {  	v0 =	vand.u32 $0x7, v2;
	v2 =	vor.u32 $0x8, v2;
	v1 =	vmul.u32 $0x8, v1;
	s2 =	simm.s32 $0x8100;
	s3 =	simm.s32 $0x8900;
	[dreg:$0x6] =	wrdreg s0  }
.LBB2_1:
0xf: {  	[dreg:$0x7] =	wrdreg s12;
	s25 =	simm.s32 $0x0  }
.LBB2_2:
0x10: {  	s0 =	smul.u32 $0x28, s25;
	_ =	sdelay $0x1  }
0x11: {  	s0 =	sadd.s32 s9, s0  }
0x12: {  	s12 =	rddreg [dreg:$0x1];
	s26 =	sshrl.u32 s0, $0x3  }
0x13: {  	s28 =	simm.s32 $0x0;
	s29 =	sadd.s32 s12, s26  }
0x14: {  	[tilespmem:s28], [sflag:$0x2] =	stream.linear.gather [hbm4b:s29+s28], $0x28, $0x38;
	[tilespmem:$0x1A500] =	vst v63  }
0x15: {  	_ =	swait.ge [sflag:s13], $0x28  }
0x16: {  	[sflag:s13] =	ssyncset.done $0x0  }
0x17: {  	[sflag:s13] =	ssyncadd.s32 $0xFFFFFFD8  }
0x18: {  	s31 =	rddreg [dreg:$0x2]  }
0x19: {  	s29 =	sadd.s32 s31, s26;
	s31 =	simm.s32 $0x80  }
0x1a: {  	[tilespmem:s31], [sflag:$0x2] =	stream.linear.gather [hbm4b:s29+s28], $0x28, $0x38;
	[tilespmem:$0x1A500] =	vst v63  }
0x1b: {  	_ =	swait.ge [sflag:s13], $0x28  }
0x1c: {  	[sflag:s13] =	ssyncset.done $0x0  }
0x1d: {  	[sflag:s13] =	ssyncadd.s32 $0xFFFFFFD8  }
0x1e: {  	s29 =	sshll.u32 s0, $0x5;
	s31 =	rddreg [dreg:$0x4]  }
0x1f: {  	s29 =	sadd.s32 s31, s29;
	s31 =	simm.s32 $0xF100  }
0x20: {  	[tilespmem:s31], [sflag:$0x2] =	stream.linear.gather [hbm4b:s29+s28], $0x2800, $0x38;
	[tilespmem:$0x1A500] =	vst v63  }
0x21: {  	_ =	swait.ge [sflag:s13], $0x2800  }
0x22: {  	s0 =	sshll.u32 s0, $0x4;
	[sflag:s13] =	ssyncset.done $0x0  }
0x23: {  	s0 =	sadd.s32 s7, s0;
	s31 =	simm.s32 $0x11900;
	[sflag:s13] =	ssyncadd.s32 $0xFFFFD800  }
0x24: {  	[tilespmem:s31], [sflag:$0x2] =	stream.linear.gather [hbm4b:s0+s28], $0x1400, $0x38;
	[tilespmem:$0x1A500] =	vst v63  }
0x25: {  	_ =	swait.ge [sflag:s13], $0x1400  }
0x26: {  	[sflag:s13] =	ssyncset.done $0x0  }
0x27: {  	[sflag:s13] =	ssyncadd.s32 $0xFFFFEC00  }
0x28: {  	v3 =	vld [tilespmem:$0x0];
	_ =	sdelay $0x4  }
0x29: {  	v4 =	vshrl.u32 v3, $0x3  }
0x2a: {  	v4 =	vmul.u32 $0x30, v4  }
0x2b: {  	v3 =	vand.u32 $0x7, v3  }
0x2c: {  	v3 =	vor.u32 v3, v4  }
0x2d: {  	v4 =	vperm.xlane v3, v0;
	_ =	sdelay $0x1  }
0x2e: {  	v4 =	vadd.s32 v1, v4;
	_ =	sdelay $0x3  }
0x2f: {  	s12 =	simm.s32 $0x100;
	v3 =	vperm.xlane v3, v2  }
0x30: {  	[tilespmem:s12], [sflag:$0x1] =	stream.indirect_vreg.gather [hbm4b:s1+s28], $0x80, v4, vm0, $0xb8;
	[tilespmem:$0x1A500] =	vst v63  }
0x31: {  	s31 =	simm.s32 $0x900;
	v3 =	vadd.s32 v1, v3  }
0x32: {  	[tilespmem:s31], [sflag:$0x1] =	stream.indirect_vreg.gather [hbm4b:s10+s28], $0x80, v4, vm0, $0xb8;
	[tilespmem:$0x1A500] =	vst v63  }
0x33: {  	s12 =	simm.s32 $0x1100  }
0x34: {  	[tilespmem:s12], [sflag:$0x1] =	stream.indirect_vreg.gather [hbm4b:s11+s28], $0x80, v4, vm0, $0xb8;
	[tilespmem:$0x1A500] =	vst v63  }
0x35: {  	s31 =	simm.s32 $0x1900  }
0x36: {  	[tilespmem:s31], [sflag:$0x1] =	stream.indirect_vreg.gather [hbm4b:s1+s28], $0x80, v3, vm0, $0xb8;
	[tilespmem:$0x1A500] =	vst v63  }
0x37: {  	s12 =	simm.s32 $0x2100  }
0x38: {  	[tilespmem:s12], [sflag:$0x1] =	stream.indirect_vreg.gather [hbm4b:s10+s28], $0x80, v3, vm0, $0xb8;
	[tilespmem:$0x1A500] =	vst v63  }
0x39: {  	s31 =	simm.s32 $0x2900  }
0x3a: {  	[tilespmem:s31], [sflag:$0x1] =	stream.indirect_vreg.gather [hbm4b:s11+s28], $0x80, v3, vm0, $0xb8;
	[tilespmem:$0x1A500] =	vst v63  }
0x3b: {  	v3 =	vld [tilespmem:$0x10];
	_ =	sdelay $0x4  }
0x3c: {  	v59 =	vshrl.u32 v3, $0x3  }
0x3d: {  	v4 =	vmul.u32 $0x30, v59  }
0x3e: {  	v3 =	vand.u32 $0x7, v3  }
0x3f: {  	v3 =	vor.u32 v3, v4  }
0x40: {  	v4 =	vperm.xlane v3, v0;
	_ =	sdelay $0x1  }
0x41: {  	v4 =	vadd.s32 v1, v4;
	_ =	sdelay $0x3  }
0x42: {  	s12 =	simm.s32 $0x3100;
	v3 =	vperm.xlane v3, v2  }
0x43: {  	[tilespmem:s12], [sflag:$0x1] =	stream.indirect_vreg.gather [hbm4b:s1+s28], $0x80, v4, vm0, $0xb8;
	[tilespmem:$0x1A500] =	vst v63  }
0x44: {  	s31 =	simm.s32 $0x3900;
	v3 =	vadd.s32 v1, v3  }
0x45: {  	[tilespmem:s31], [sflag:$0x1] =	stream.indirect_vreg.gather [hbm4b:s10+s28], $0x80, v4, vm0, $0xb8;
	[tilespmem:$0x1A500] =	vst v63  }
0x46: {  	s12 =	simm.s32 $0x4100  }
0x47: {  	[tilespmem:s12], [sflag:$0x1] =	stream.indirect_vreg.gather [hbm4b:s11+s28], $0x80, v4, vm0, $0xb8;
	[tilespmem:$0x1A500] =	vst v63  }
0x48: {  	s31 =	simm.s32 $0x4900  }
0x49: {  	[tilespmem:s31], [sflag:$0x1] =	stream.indirect_vreg.gather [hbm4b:s1+s28], $0x80, v3, vm0, $0xb8;
	[tilespmem:$0x1A500] =	vst v63  }
0x4a: {  	s12 =	simm.s32 $0x5100  }
0x4b: {  	[tilespmem:s12], [sflag:$0x1] =	stream.indirect_vreg.gather [hbm4b:s10+s28], $0x80, v3, vm0, $0xb8;
	[tilespmem:$0x1A500] =	vst v63  }
0x4c: {  	s31 =	simm.s32 $0x5900  }
0x4d: {  	[tilespmem:s31], [sflag:$0x1] =	stream.indirect_vreg.gather [hbm4b:s11+s28], $0x80, v3, vm0, $0xb8;
	[tilespmem:$0x1A500] =	vst v63  }
0x4e: {  	v3 =	vld.msk [tilespmem:$0x20], $0xff;
	_ =	sdelay $0x4  }
0x4f: {  	v60 =	vshrl.u32 v3, $0x3  }
0x50: {  	v4 =	vmul.u32 $0x30, v60  }
0x51: {  	v3 =	vand.u32 $0x7, v3  }
0x52: {  	v3 =	vor.u32 v3, v4  }
0x53: {  	v3 =	vperm.xlane v3, v0;
	_ =	sdelay $0x1  }
0x54: {  	v3 =	vadd.s32 v1, v3;
	_ =	sdelay $0x3  }
0x55: {  	s12 =	simm.s32 $0x6100  }
0x56: {  	[tilespmem:s12], [sflag:$0x1] =	stream.indirect_vreg.gather [hbm4b:s1+s28], $0x80, v3, vm0, $0xb8;
	[tilespmem:$0x1A500] =	vst v63  }
0x57: {  	s31 =	simm.s32 $0x6900  }
0x58: {  	[tilespmem:s31], [sflag:$0x1] =	stream.indirect_vreg.gather [hbm4b:s10+s28], $0x80, v3, vm0, $0xb8;
	[tilespmem:$0x1A500] =	vst v63  }
0x59: {  	s12 =	simm.s32 $0x7100  }
0x5a: {  	[tilespmem:s12], [sflag:$0x1] =	stream.indirect_vreg.gather [hbm4b:s11+s28], $0x80, v3, vm0, $0xb8;
	[tilespmem:$0x1A500] =	vst v63  }
0x5b: {  	_ =	swait.ge [sflag:s5], $0x7800  }
0x5c: {  	[sflag:s5] =	ssyncset.done $0x0  }
0x5d: {  	[sflag:s5] =	ssyncadd.s32 $0xFFFF8800  }
0x5e: {  	v3 =	vld [tilespmem:$0x80];
	_ =	sdelay $0x4  }
0x5f: {  	v61 =	vshrl.u32 v3, $0x3  }
0x60: {  	v4 =	vmul.u32 $0x30, v61  }
0x61: {  	v3 =	vand.u32 $0x7, v3  }
0x62: {  	v3 =	vor.u32 v3, v4  }
0x63: {  	v4 =	vperm.xlane v3, v0;
	_ =	sdelay $0x1  }
0x64: {  	v4 =	vadd.s32 v1, v4;
	_ =	sdelay $0x3  }
0x65: {  	s31 =	simm.s32 $0x7900;
	v3 =	vperm.xlane v3, v2  }
0x66: {  	[tilespmem:s31], [sflag:$0x1] =	stream.indirect_vreg.gather [hbm4b:s1+s28], $0x80, v4, vm0, $0xb8;
	[tilespmem:$0x1A500] =	vst v63  }
0x67: {  	v3 =	vadd.s32 v1, v3  }
0x68: {  	[tilespmem:s2], [sflag:$0x1] =	stream.indirect_vreg.gather [hbm4b:s10+s28], $0x80, v4, vm0, $0xb8;
	[tilespmem:$0x1A500] =	vst v63  }
0x69: {  	_ = 	snop  }
0x6a: {  	[tilespmem:s3], [sflag:$0x1] =	stream.indirect_vreg.gather [hbm4b:s11+s28], $0x80, v4, vm0, $0xb8;
	[tilespmem:$0x1A500] =	vst v63  }
0x6b: {  	_ = 	snop  }
0x6c: {  	[tilespmem:s4], [sflag:$0x1] =	stream.indirect_vreg.gather [hbm4b:s1+s28], $0x80, v3, vm0, $0xb8;
	[tilespmem:$0x1A500] =	vst v63  }
0x6d: {  	_ = 	snop  }
0x6e: {  	[tilespmem:s6], [sflag:$0x1] =	stream.indirect_vreg.gather [hbm4b:s10+s28], $0x80, v3, vm0, $0xb8;
	[tilespmem:$0x1A500] =	vst v63  }
0x6f: {  	_ = 	snop  }
0x70: {  	[tilespmem:s14], [sflag:$0x1] =	stream.indirect_vreg.gather [hbm4b:s11+s28], $0x80, v3, vm0, $0xb8;
	[tilespmem:$0x1A500] =	vst v63  }
0x71: {  	v3 =	vld [tilespmem:$0x90];
	_ =	sdelay $0x4  }
0x72: {  	v62 =	vshrl.u32 v3, $0x3  }
0x73: {  	v4 =	vmul.u32 $0x30, v62  }
0x74: {  	v3 =	vand.u32 $0x7, v3  }
0x75: {  	v3 =	vor.u32 v3, v4  }
0x76: {  	v4 =	vperm.xlane v3, v0;
	_ =	sdelay $0x1  }
0x77: {  	v4 =	vadd.s32 v1, v4;
	_ =	sdelay $0x3  }
0x78: {  	v3 =	vperm.xlane v3, v2  }
0x79: {  	[tilespmem:s15], [sflag:$0x1] =	stream.indirect_vreg.gather [hbm4b:s1+s28], $0x80, v4, vm0, $0xb8;
	[tilespmem:$0x1A500] =	vst v63  }
0x7a: {  	v3 =	vadd.s32 v1, v3  }
0x7b: {  	[tilespmem:s16], [sflag:$0x1] =	stream.indirect_vreg.gather [hbm4b:s10+s28], $0x80, v4, vm0, $0xb8;
	[tilespmem:$0x1A500] =	vst v63  }
0x7c: {  	_ = 	snop  }
0x7d: {  	[tilespmem:s17], [sflag:$0x1] =	stream.indirect_vreg.gather [hbm4b:s11+s28], $0x80, v4, vm0, $0xb8;
	[tilespmem:$0x1A500] =	vst v63  }
0x7e: {  	_ = 	snop  }
0x7f: {  	[tilespmem:s18], [sflag:$0x1] =	stream.indirect_vreg.gather [hbm4b:s1+s28], $0x80, v3, vm0, $0xb8;
	[tilespmem:$0x1A500] =	vst v63  }
0x80: {  	_ = 	snop  }
0x81: {  	[tilespmem:s19], [sflag:$0x1] =	stream.indirect_vreg.gather [hbm4b:s10+s28], $0x80, v3, vm0, $0xb8;
	[tilespmem:$0x1A500] =	vst v63  }
0x82: {  	_ = 	snop  }
0x83: {  	[tilespmem:s20], [sflag:$0x1] =	stream.indirect_vreg.gather [hbm4b:s11+s28], $0x80, v3, vm0, $0xb8;
	[tilespmem:$0x1A500] =	vst v63  }
0x84: {  	v3 =	vld.msk [tilespmem:$0xA0], $0xff;
	_ =	sdelay $0x4  }
0x85: {  	v63 =	vshrl.u32 v3, $0x3  }
0x86: {  	v4 =	vmul.u32 $0x30, v63  }
0x87: {  	v3 =	vand.u32 $0x7, v3  }
0x88: {  	v3 =	vor.u32 v3, v4  }
0x89: {  	v3 =	vperm.xlane v3, v0;
	_ =	sdelay $0x1  }
0x8a: {  	v3 =	vadd.s32 v1, v3;
	_ =	sdelay $0x4  }
0x8b: {  	[tilespmem:s21], [sflag:$0x1] =	stream.indirect_vreg.gather [hbm4b:s1+s28], $0x80, v3, vm0, $0xb8;
	[tilespmem:$0x1A500] =	vst v63  }
0x8c: {  	_ = 	snop  }
0x8d: {  	[tilespmem:s22], [sflag:$0x1] =	stream.indirect_vreg.gather [hbm4b:s10+s28], $0x80, v3, vm0, $0xb8;
	[tilespmem:$0x1A500] =	vst v63  }
0x8e: {  	_ = 	snop  }
0x8f: {  	[tilespmem:s23], [sflag:$0x1] =	stream.indirect_vreg.gather [hbm4b:s11+s28], $0x80, v3, vm0, $0xb8;
	[tilespmem:$0x1A500] =	vst v63  }
0x90: {  	_ =	swait.ge [sflag:s5], $0x7800  }
0x91: {  	[sflag:s5] =	ssyncset.done $0x0  }
0x92: {  	s30 =	simm.s32 $0x0;
	s29 =	simm.s32 $0x11920;
	[sflag:s5] =	ssyncadd.s32 $0xFFFF8800  }
.LBB2_3:
0x93: {  	s0 =	sshrl.u32 s30, $0x3  }
0x94: {  	s0 =	smul.u32 $0x1800, s0  }
0x95: {  	v3 =	vld [tilespmem:s29+$0xFFFFFFE0];
	s12 =	sand.u32 $0x380, s28  }
0x96: {  	v4 =	vld [tilespmem:s29+$0xFFFFFFF0];
	s31 =	sor.u32 s12, s0  }
0x97: {  	v6 =	vld [tilespmem:s31+$0x100]  }
0x98: {  	v7 =	vld [tilespmem:s31+$0x7900]  }
0x99: {  	v8 =	vld [tilespmem:s31+$0x900]  }
0x9a: {  	v9 =	vld [tilespmem:s31+$0x8100]  }
0x9b: {  	s0 =	sshll.u32 s30, $0x8;
	v10 =	vld [tilespmem:s31+$0x1100]  }
0x9c: {  	s0 =	sand.u32 $0x3FFFF800, s0;
	v11 =	vld [tilespmem:s31+$0x8900]  }
0x9d: {  	v5 =	vld [tilespmem:s29+$0x0];
	s0 =	sor.u32 s12, s0  }
0x9e: {  	v12 =	vld [tilespmem:s0+$0xF100]  }
0x9f: {  	v6 =	vadd.f32 v7, v6  }
0xa0: {  	v53 =	vadd.f32 v9, v8  }
0xa1: {  	v55 =	vld [tilespmem:s31+$0x110];
	v54 =	vadd.f32 v11, v10;
	v6 =	vadd.f32 v6, v3  }
0xa2: {  	v56 =	vld [tilespmem:s31+$0x7910];
	v7 =	vadd.f32 v53, v4  }
0xa3: {  	v57 =	vld [tilespmem:s31+$0x910];
	v8 =	vadd.f32 v54, v5;
	v6 =	vmul.f32 v6, v12  }
0xa4: {  	v13 =	vld [tilespmem:s31+$0x8110];
	v7 =	vmul.f32 v7, v12  }
0xa5: {  	v59 =	vld [tilespmem:s31+$0x1110];
	v58 =	vmul.f32 v8, v12;
	[tilespmem:s31+$0x12D00] =	vst v6  }
0xa6: {  	v60 =	vld [tilespmem:s31+$0x8910];
	[tilespmem:s31+$0x13500] =	vst v7  }
0xa7: {  	[tilespmem:s31+$0x13D00] =	vst v58  }
0xa8: {  	v6 =	vld [tilespmem:s0+$0xF110]  }
0xa9: {  	v9 =	vadd.f32 v56, v55  }
0xaa: {  	v61 =	vadd.f32 v13, v57  }
0xab: {  	v62 =	vld [tilespmem:s31+$0x120];
	v9 =	vadd.f32 v9, v3;
	v7 =	vadd.f32 v60, v59  }
0xac: {  	v63 =	vld [tilespmem:s31+$0x7920];
	v10 =	vadd.f32 v61, v4  }
0xad: {  	v16 =	vld [tilespmem:s31+$0x920];
	v7 =	vadd.f32 v7, v5;
	v9 =	vmul.f32 v9, v6  }
0xae: {  	v17 =	vld [tilespmem:s31+$0x8120];
	v10 =	vmul.f32 v10, v6  }
0xaf: {  	v18 =	vld [tilespmem:s31+$0x1120];
	v6 =	vmul.f32 v7, v6;
	[tilespmem:s31+$0x12D10] =	vst v9  }
0xb0: {  	v19 =	vld [tilespmem:s31+$0x8920];
	[tilespmem:s31+$0x13510] =	vst v10  }
0xb1: {  	[tilespmem:s31+$0x13D10] =	vst v6  }
0xb2: {  	v6 =	vld [tilespmem:s0+$0xF120]  }
0xb3: {  	v8 =	vadd.f32 v63, v62  }
0xb4: {  	v20 =	vadd.f32 v17, v16  }
0xb5: {  	v21 =	vld [tilespmem:s31+$0x130];
	v8 =	vadd.f32 v8, v3;
	v7 =	vadd.f32 v19, v18  }
0xb6: {  	v22 =	vld [tilespmem:s31+$0x7930];
	v10 =	vadd.f32 v20, v4  }
0xb7: {  	v23 =	vld [tilespmem:s31+$0x930];
	v7 =	vadd.f32 v7, v5;
	v8 =	vmul.f32 v8, v6  }
0xb8: {  	v24 =	vld [tilespmem:s31+$0x8130];
	v10 =	vmul.f32 v10, v6  }
0xb9: {  	v25 =	vld [tilespmem:s31+$0x1130];
	v6 =	vmul.f32 v7, v6;
	[tilespmem:s31+$0x12D20] =	vst v8  }
0xba: {  	v26 =	vld [tilespmem:s31+$0x8930];
	[tilespmem:s31+$0x13520] =	vst v10  }
0xbb: {  	[tilespmem:s31+$0x13D20] =	vst v6  }
0xbc: {  	v6 =	vld [tilespmem:s0+$0xF130]  }
0xbd: {  	v9 =	vadd.f32 v22, v21  }
0xbe: {  	v27 =	vadd.f32 v24, v23  }
0xbf: {  	v28 =	vld [tilespmem:s31+$0x140];
	v9 =	vadd.f32 v9, v3;
	v7 =	vadd.f32 v26, v25  }
0xc0: {  	v29 =	vld [tilespmem:s31+$0x7940];
	v10 =	vadd.f32 v27, v4  }
0xc1: {  	v30 =	vld [tilespmem:s31+$0x940];
	v7 =	vadd.f32 v7, v5;
	v9 =	vmul.f32 v9, v6  }
0xc2: {  	v31 =	vld [tilespmem:s31+$0x8140];
	v10 =	vmul.f32 v10, v6  }
0xc3: {  	v32 =	vld [tilespmem:s31+$0x1140];
	v6 =	vmul.f32 v7, v6;
	[tilespmem:s31+$0x12D30] =	vst v9  }
0xc4: {  	v33 =	vld [tilespmem:s31+$0x8940];
	[tilespmem:s31+$0x13530] =	vst v10  }
0xc5: {  	[tilespmem:s31+$0x13D30] =	vst v6  }
0xc6: {  	v6 =	vld [tilespmem:s0+$0xF140]  }
0xc7: {  	v8 =	vadd.f32 v29, v28  }
0xc8: {  	v34 =	vadd.f32 v31, v30  }
0xc9: {  	v35 =	vld [tilespmem:s31+$0x150];
	v8 =	vadd.f32 v8, v3;
	v7 =	vadd.f32 v33, v32  }
0xca: {  	v36 =	vld [tilespmem:s31+$0x7950];
	v10 =	vadd.f32 v34, v4  }
0xcb: {  	v37 =	vld [tilespmem:s31+$0x950];
	v7 =	vadd.f32 v7, v5;
	v8 =	vmul.f32 v8, v6  }
0xcc: {  	v38 =	vld [tilespmem:s31+$0x8150];
	v10 =	vmul.f32 v10, v6  }
0xcd: {  	v39 =	vld [tilespmem:s31+$0x1150];
	v6 =	vmul.f32 v7, v6;
	[tilespmem:s31+$0x12D40] =	vst v8  }
0xce: {  	v40 =	vld [tilespmem:s31+$0x8950];
	[tilespmem:s31+$0x13540] =	vst v10  }
0xcf: {  	[tilespmem:s31+$0x13D40] =	vst v6  }
0xd0: {  	v6 =	vld [tilespmem:s0+$0xF150]  }
0xd1: {  	v9 =	vadd.f32 v36, v35  }
0xd2: {  	v41 =	vadd.f32 v38, v37  }
0xd3: {  	v42 =	vld [tilespmem:s31+$0x160];
	v9 =	vadd.f32 v9, v3;
	v7 =	vadd.f32 v40, v39  }
0xd4: {  	v43 =	vld [tilespmem:s31+$0x7960];
	v10 =	vadd.f32 v41, v4  }
0xd5: {  	v44 =	vld [tilespmem:s31+$0x960];
	v7 =	vadd.f32 v7, v5;
	v9 =	vmul.f32 v9, v6  }
0xd6: {  	v45 =	vld [tilespmem:s31+$0x8160];
	v10 =	vmul.f32 v10, v6  }
0xd7: {  	v46 =	vld [tilespmem:s31+$0x1160];
	v6 =	vmul.f32 v7, v6;
	[tilespmem:s31+$0x12D50] =	vst v9  }
0xd8: {  	v47 =	vld [tilespmem:s31+$0x8960];
	[tilespmem:s31+$0x13550] =	vst v10  }
0xd9: {  	[tilespmem:s31+$0x13D50] =	vst v6  }
0xda: {  	v6 =	vld [tilespmem:s0+$0xF160]  }
0xdb: {  	v8 =	vadd.f32 v43, v42  }
0xdc: {  	v48 =	vadd.f32 v45, v44  }
0xdd: {  	v49 =	vld [tilespmem:s31+$0x170];
	v8 =	vadd.f32 v8, v3;
	v7 =	vadd.f32 v47, v46  }
0xde: {  	v50 =	vld [tilespmem:s31+$0x7970];
	v10 =	vadd.f32 v48, v4  }
0xdf: {  	v51 =	vld [tilespmem:s31+$0x970];
	v7 =	vadd.f32 v7, v5;
	v8 =	vmul.f32 v8, v6  }
0xe0: {  	v52 =	vld [tilespmem:s31+$0x8170];
	v10 =	vmul.f32 v10, v6  }
0xe1: {  	v53 =	vld [tilespmem:s31+$0x1170];
	v6 =	vmul.f32 v7, v6;
	[tilespmem:s31+$0x12D60] =	vst v8  }
0xe2: {  	v54 =	vld [tilespmem:s31+$0x8970];
	[tilespmem:s31+$0x13560] =	vst v10  }
0xe3: {  	[tilespmem:s31+$0x13D60] =	vst v6  }
0xe4: {  	v6 =	vld [tilespmem:s0+$0xF170]  }
0xe5: {  	v9 =	vadd.f32 v50, v49  }
0xe6: {  	v55 =	vadd.f32 v52, v51  }
0xe7: {  	v56 =	vld [tilespmem:s31+$0x500];
	v9 =	vadd.f32 v9, v3;
	v7 =	vadd.f32 v54, v53  }
0xe8: {  	v57 =	vld [tilespmem:s31+$0x7D00];
	v10 =	vadd.f32 v55, v4  }
0xe9: {  	v61 =	vld [tilespmem:s31+$0x8D00];
	v7 =	vadd.f32 v7, v5;
	v9 =	vmul.f32 v9, v6  }
0xea: {  	v58 =	vld [tilespmem:s31+$0xD00];
	v10 =	vmul.f32 v10, v6  }
0xeb: {  	v59 =	vld [tilespmem:s31+$0x8500];
	v6 =	vmul.f32 v7, v6;
	[tilespmem:s31+$0x12D70] =	vst v9  }
0xec: {  	v60 =	vld [tilespmem:s31+$0x1500];
	[tilespmem:s31+$0x13570] =	vst v10  }
0xed: {  	[tilespmem:s31+$0x13D70] =	vst v6  }
0xee: {  	v6 =	vld [tilespmem:s0+$0xF500]  }
0xef: {  	v8 =	vadd.f32 v57, v56  }
0xf0: {  	v62 =	vadd.f32 v59, v58  }
0xf1: {  	v16 =	vld [tilespmem:s31+$0x7D10];
	v8 =	vadd.f32 v8, v3;
	v7 =	vadd.f32 v61, v60  }
0xf2: {  	v17 =	vld [tilespmem:s31+$0xD10];
	v10 =	vadd.f32 v62, v4  }
0xf3: {  	v63 =	vld [tilespmem:s31+$0x510];
	v7 =	vadd.f32 v7, v5;
	v8 =	vmul.f32 v8, v6  }
0xf4: {  	v18 =	vld [tilespmem:s31+$0x8510];
	v10 =	vmul.f32 v10, v6  }
0xf5: {  	v19 =	vld [tilespmem:s31+$0x1510];
	v6 =	vmul.f32 v7, v6;
	[tilespmem:s31+$0x13100] =	vst v8  }
0xf6: {  	v20 =	vld [tilespmem:s31+$0x8D10];
	[tilespmem:s31+$0x13900] =	vst v10  }
0xf7: {  	[tilespmem:s31+$0x14100] =	vst v6  }
0xf8: {  	v6 =	vld [tilespmem:s0+$0xF510]  }
0xf9: {  	v9 =	vadd.f32 v16, v63  }
0xfa: {  	v21 =	vadd.f32 v18, v17  }
0xfb: {  	v23 =	vld [tilespmem:s31+$0x7D20];
	v9 =	vadd.f32 v9, v3;
	v7 =	vadd.f32 v20, v19  }
0xfc: {  	v24 =	vld [tilespmem:s31+$0xD20];
	v10 =	vadd.f32 v21, v4  }
0xfd: {  	v22 =	vld [tilespmem:s31+$0x520];
	v7 =	vadd.f32 v7, v5;
	v9 =	vmul.f32 v9, v6  }
0xfe: {  	v25 =	vld [tilespmem:s31+$0x8520];
	v10 =	vmul.f32 v10, v6  }
0xff: {  	v26 =	vld [tilespmem:s31+$0x1520];
	v6 =	vmul.f32 v7, v6;
	[tilespmem:s31+$0x13110] =	vst v9  }
0x100: {  	v27 =	vld [tilespmem:s31+$0x8D20];
	[tilespmem:s31+$0x13910] =	vst v10  }
0x101: {  	[tilespmem:s31+$0x14110] =	vst v6  }
0x102: {  	v6 =	vld [tilespmem:s0+$0xF520]  }
0x103: {  	v8 =	vadd.f32 v23, v22  }
0x104: {  	v28 =	vadd.f32 v25, v24  }
0x105: {  	v30 =	vld [tilespmem:s31+$0x7D30];
	v8 =	vadd.f32 v8, v3;
	v7 =	vadd.f32 v27, v26  }
0x106: {  	v31 =	vld [tilespmem:s31+$0xD30];
	v10 =	vadd.f32 v28, v4  }
0x107: {  	v29 =	vld [tilespmem:s31+$0x530];
	v7 =	vadd.f32 v7, v5;
	v8 =	vmul.f32 v8, v6  }
0x108: {  	v32 =	vld [tilespmem:s31+$0x8530];
	v10 =	vmul.f32 v10, v6  }
0x109: {  	v33 =	vld [tilespmem:s31+$0x1530];
	v6 =	vmul.f32 v7, v6;
	[tilespmem:s31+$0x13120] =	vst v8  }
0x10a: {  	v34 =	vld [tilespmem:s31+$0x8D30];
	[tilespmem:s31+$0x13920] =	vst v10  }
0x10b: {  	[tilespmem:s31+$0x14120] =	vst v6  }
0x10c: {  	v6 =	vld [tilespmem:s0+$0xF530]  }
0x10d: {  	v9 =	vadd.f32 v30, v29  }
0x10e: {  	v35 =	vadd.f32 v32, v31  }
0x10f: {  	v37 =	vld [tilespmem:s31+$0x7D40];
	v9 =	vadd.f32 v9, v3;
	v7 =	vadd.f32 v34, v33  }
0x110: {  	v38 =	vld [tilespmem:s31+$0xD40];
	v10 =	vadd.f32 v35, v4  }
0x111: {  	v36 =	vld [tilespmem:s31+$0x540];
	v7 =	vadd.f32 v7, v5;
	v9 =	vmul.f32 v9, v6  }
0x112: {  	v39 =	vld [tilespmem:s31+$0x8540];
	v10 =	vmul.f32 v10, v6  }
0x113: {  	v40 =	vld [tilespmem:s31+$0x1540];
	v6 =	vmul.f32 v7, v6;
	[tilespmem:s31+$0x13130] =	vst v9  }
0x114: {  	v41 =	vld [tilespmem:s31+$0x8D40];
	[tilespmem:s31+$0x13930] =	vst v10  }
0x115: {  	[tilespmem:s31+$0x14130] =	vst v6  }
0x116: {  	v6 =	vld [tilespmem:s0+$0xF540]  }
0x117: {  	v8 =	vadd.f32 v37, v36  }
0x118: {  	v42 =	vadd.f32 v39, v38  }
0x119: {  	v44 =	vld [tilespmem:s31+$0x7D50];
	v8 =	vadd.f32 v8, v3;
	v7 =	vadd.f32 v41, v40  }
0x11a: {  	v45 =	vld [tilespmem:s31+$0xD50];
	v10 =	vadd.f32 v42, v4  }
0x11b: {  	v43 =	vld [tilespmem:s31+$0x550];
	v7 =	vadd.f32 v7, v5;
	v8 =	vmul.f32 v8, v6  }
0x11c: {  	v46 =	vld [tilespmem:s31+$0x8550];
	v10 =	vmul.f32 v10, v6  }
0x11d: {  	v47 =	vld [tilespmem:s31+$0x1550];
	v6 =	vmul.f32 v7, v6;
	[tilespmem:s31+$0x13140] =	vst v8  }
0x11e: {  	v48 =	vld [tilespmem:s31+$0x8D50];
	[tilespmem:s31+$0x13940] =	vst v10  }
0x11f: {  	[tilespmem:s31+$0x14140] =	vst v6  }
0x120: {  	v6 =	vld [tilespmem:s0+$0xF550]  }
0x121: {  	v9 =	vadd.f32 v44, v43  }
0x122: {  	v49 =	vadd.f32 v46, v45  }
0x123: {  	v51 =	vld [tilespmem:s31+$0x7D60];
	v9 =	vadd.f32 v9, v3;
	v7 =	vadd.f32 v48, v47  }
0x124: {  	v52 =	vld [tilespmem:s31+$0xD60];
	v10 =	vadd.f32 v49, v4  }
0x125: {  	v50 =	vld [tilespmem:s31+$0x560];
	v7 =	vadd.f32 v7, v5;
	v9 =	vmul.f32 v9, v6  }
0x126: {  	v53 =	vld [tilespmem:s31+$0x8560];
	v10 =	vmul.f32 v10, v6  }
0x127: {  	v54 =	vld [tilespmem:s31+$0x1560];
	v6 =	vmul.f32 v7, v6;
	[tilespmem:s31+$0x13150] =	vst v9  }
0x128: {  	v55 =	vld [tilespmem:s31+$0x8D60];
	[tilespmem:s31+$0x13950] =	vst v10  }
0x129: {  	[tilespmem:s31+$0x14150] =	vst v6  }
0x12a: {  	v6 =	vld [tilespmem:s0+$0xF560]  }
0x12b: {  	v8 =	vadd.f32 v51, v50  }
0x12c: {  	v56 =	vadd.f32 v53, v52  }
0x12d: {  	v58 =	vld [tilespmem:s31+$0x7D70];
	v8 =	vadd.f32 v8, v3;
	v7 =	vadd.f32 v55, v54  }
0x12e: {  	v59 =	vld [tilespmem:s31+$0xD70];
	v10 =	vadd.f32 v56, v4  }
0x12f: {  	v57 =	vld [tilespmem:s31+$0x570];
	v7 =	vadd.f32 v7, v5;
	v8 =	vmul.f32 v8, v6  }
0x130: {  	v60 =	vld [tilespmem:s31+$0x8570];
	v10 =	vmul.f32 v10, v6  }
0x131: {  	v61 =	vld [tilespmem:s31+$0x1570];
	v6 =	vmul.f32 v7, v6;
	[tilespmem:s31+$0x13160] =	vst v8  }
0x132: {  	v62 =	vld [tilespmem:s31+$0x8D70];
	[tilespmem:s31+$0x13960] =	vst v10  }
0x133: {  	[tilespmem:s31+$0x14160] =	vst v6  }
0x134: {  	v6 =	vld [tilespmem:s0+$0xF570]  }
0x135: {  	v9 =	vadd.f32 v58, v57  }
0x136: {  	v63 =	vadd.f32 v60, v59  }
0x137: {  	v3 =	vadd.f32 v9, v3;
	v7 =	vadd.f32 v62, v61  }
0x138: {  	p0 =	sne.s32 s30, $0x27;
	v4 =	vadd.f32 v63, v4  }
.Ltmp0:
0x139: {  	v5 =	vadd.f32 v7, v5;
	v3 =	vmul.f32 v3, v6;
	(pc) =	sbr.rel @p0 .LBB2_3-.Ltmp0, $4  }
0x13a: {  	v4 =	vmul.f32 v4, v6  }
0x13b: {  	[tilespmem:s31+$0x13170] =	vst v3;
	v3 =	vmul.f32 v5, v6  }
0x13c: {  	[tilespmem:s31+$0x13970] =	vst v4  }
0x13d: {  	s28 =	sadd.s32 $0x80, s28;
	s29 =	sadd.s32 $0x80, s29;
	s30 =	sadd.s32 $0x1, s30;
	[tilespmem:s31+$0x14170] =	vst v3  }
0x13e: {  	s0 =	smul.u32 $0x300, s26;
	s25 =	sadd.s32 $0x1, s25  }
0x13f: {  	p0 =	sne.s32 s25, $0x7D  }
.Ltmp1:
0x140: {  	s12 =	simm.s32 $0x0;
	s0 =	sadd.s32 s8, s0;
	(pc) =	sbr.rel @p0 .LBB2_2-.Ltmp1, $4  }
0x141: {  	[hbm4b:s0+s12] =	stream.linear.scatter [tilespmem:s24], [sflag:$0x2], $0x7800, $0x38;
	[tilespmem:$0x1A500] =	vst v63  }
0x142: {  	_ =	swait.ge [sflag:s13], $0x7800  }
0x143: {  	[sflag:s13] =	ssyncset.done $0x0  }
0x144: {  	[sflag:s13] =	ssyncadd.s32 $0xFFFF8800  }
0x145: {  	s12 =	rddreg [dreg:$0x7]  }
0x146: {  	s0 =	rddreg [dreg:$0x6];
	s12 =	sadd.s32 $0x1, s12  }
0x147: {  	p0 =	sne.s32 s12, s0  }
.Ltmp2:
0x148: {  	_ = 	snop;
	(pc) =	sbr.rel @p0 .LBB2_1-.Ltmp2, $1  }
0x149: {  	_ =	sdelay $0x3  }
0x14a: {  	_ =	sfence.sel $0x180000  }
0x14b: {  	[bflag:$0x0] =	sbarrier.arrive $0xFFFF  }
0x14c: {  	_ =	strace $0x9000004A  }
0x14d: {  	s0 =	stileid.u32;
	[bflag:$0x2] =	sbarrier.arrive $0xFFFF  }
0x14e: {  	p0 =	sne.s32 s0, $0x0;
	s0 =	rddreg [dreg:$0x5]  }
0x14f: {  	s0 =	sadd.s32 @!p0 $0x100000, s0  }
0x150: {  	[sflag:s0] =	ssyncadd.tile.s32 @!p0 $0x1;
	_ =	shalt  }
.Lfunc_end2:
_tile_overlayer_lowered:
.L_overlay_start_2:
0x151: {  	(tag) =	ssettag $0x2  }
0x152: {  	s0 =	rddreg [dreg:$0x0];
	s2 =	stileid.u32  }
0x153: {  	s1 =	rddreg [dreg:$0x1];
	p0 =	sne.s32 s2, $0x0  }
0x154: {  	s3 =	rddreg [dreg:$0x2];
	[bflag:$0x3] =	sbarrier.arrive $0xFFFF;
	s2 =	simm.s32 @!p0 $0x1C02  }
0x155: {  	[timem:s3], [sflag:s2] =	dma.local @!p0 [hbm:s0], s1  }
0x156: {  	s0 =	simm.s32 @!p0 $0x2  }
0x157: {  	_ =	swait.ge @!p0 [sflag:s0], s1  }
0x158: {  	s1 =	ssub.s32 @!p0 $0x0, s1;
	[sflag:s0] =	ssyncset.done @!p0 $0x0  }
0x159: {  	[sflag:s0] =	ssyncadd.s32 @!p0 s1  }
0x15a: {  	[bflag:$0x3] =	sbarrier.arrive $0xFFFF  }
0x15b: {  	_ =	shalt  }

// kernel: sparse-core-data-format-call.1.cloned.1.call-start
scs
called_computation.1_lowered:
.L_overlay_start_0:
0x0: {  	s2 =	sld [smem:$0x3FD9]  }
0x1: {  	s3 =	sld [smem:$0x3FFE];
	_ =	sdelay $0x1  }
0x2: {  	s1 =	srdreg.scid  }
0x3: {  	s0 =	sand.u32 $0x1, s1  }
0x4: {  	s16 =	sshll.u32 s0, $0xA;
	s2 =	sadd.s32 s3, s2  }
0x5: {  	s2 =	sadd.s32 s2, s16  }
0x6: {  	[smem:$0x3FC1] =	sst s2  }
0x7: {  	_ = 	snop  }
0x8: {  	s2 =	sld [smem:$0x3FD0];
	_ =	sdelay $0x2  }
0x9: {  	s4 =	simm.s32 $0xA;
	s5 =	simm.s32 $0x10;
	s17 =	sld [smem:$0x3FC5]  }
0xa: {  	[smem:s5], [sflag:s4] =	dma.local [hbm:s2], $0x1  }
0xb: {  	_ =	swait.eq [sflag:s4], $0x1  }
0xc: {  	[sflag:s4] =	ssyncset.done $0x0  }
0xd: {  	[sflag:s4] =	ssyncadd.s32 $0xFFFFFFFF  }
0xe: {  	s18 =	sld [smem:$0x11];
	(tm) =	ssettm $0x1  }
0xf: {  	s19 =	sld [smem:$0x3FFB];
	_ =	sdelay $0x3  }
0x10: {  	_ =	strace s19  }
0x11: {  	s4 =	sld [smem:$0x3FFC];
	_ =	sdelay $0x3  }
0x12: {  	_ =	strace s4  }
0x13: {  	s4 =	sld [smem:$0x3FFD];
	_ =	sdelay $0x3  }
0x14: {  	_ =	strace s4  }
0x15: {  	_ =	strace $0x8FFFFFFF  }
0x16: {  	s20 =	sld [smem:$0x3FDB];
	_ =	sdelay $0x1  }
0x17: {  	s21 =	simm.s32 $_scs_section_size  }
0x18: {  	s6 =	simm.s32 $_size__tile_overlayer_lowered;
	s7 =	simm.s32 $_tile_overlayer_lowered  }
0x19: {  	s24 =	simm.s32 $0x1BFF;
	s23 =	sshll.u32 s7, $0x1;
	s4 =	sadd.s32 s21, s20  }
0x1a: {  	s8 =	simm.s32 $0x0;
	s22 =	sshll.u32 s6, $0x1;
	s6 =	sadd.s32 s23, s4  }
0x1b: {  	[timem:s8], [sflag:s24] =	dma.local [hbm:s6], s22  }
0x1c: {  	_ =	swait.ge [sflag:s24], s22  }
0x1d: {  	s5 =	ssub.s32 $0x0, s22;
	[sflag:s24] =	ssyncset.done $0x0  }
0x1e: {  	[sflag:s24] =	ssyncadd.s32 s5;
	_ =	sdelay $0x1  }
0x1f: {  	s25 =	simm.s32 $0x1B8B  }
0x20: {  	_ =	swait.ge [sflag:s25], $0x1  }
0x21: {  	[sflag:s25] =	ssyncset.done $0x0  }
0x22: {  	s26 =	simm.s32 $0x1B8E;
	[sflag:s25] =	ssyncadd.s32 $0xFFFFFFFF  }
0x23: {  	s27 =	simm.s32 $execute0_lowered;
	[smem:$0x3FD2] =	sst s26  }
0x24: {  	s5 =	sshll.u32 s27, $0x1;
	_ =	strace $0x80000046;
	[dreg:$0x1] =	wrdreg $0xFFFFFFFF  }
0x25: {  	s28 =	simm.s32 $_size_execute0_lowered;
	s4 =	sadd.s32 s4, s5;
	[dreg:$0x0] =	wrdreg $0x0  }
0x26: {  	s5 =	sshll.u32 s28, $0x1;
	[dreg:$0x2] =	wrdreg s4  }
0x27: {  	[dreg:$0x3] =	wrdreg s5  }
0x28: {  	[dreg:$0x4] =	wrdreg $0xC0  }
0x29: {  	_ =	task [dreg:s8], $0x5FFFF  }
0x2a: {  	[dreg:$0x1] =	wrdreg $0xFFFFFFFF  }
0x2b: {  	[dreg:$0x0] =	wrdreg $0x60  }
0x2c: {  	[dreg:$0x2] =	wrdreg s17  }
0x2d: {  	[dreg:$0x3] =	wrdreg s18  }
0x2e: {  	[dreg:$0x4] =	wrdreg $0x9  }
0x2f: {  	_ =	task.clear_ibuf [dreg:s8], $0x5FFFF;
	_ =	strace $0x90000046  }
0x30: {  	s29 =	simm.s32 $0x9;
	_ =	strace $0x80000048  }
0x31: {  	_ =	swait.ge [sflag:s29], $0x1  }
0x32: {  	[sflag:s29] =	ssyncadd.s32 $0xFFFFFFFF  }
0x33: {  	_ =	strace $0x90000048  }
0x34: {  	_ =	sfence  }
0x35: {  	s30 =	sld [smem:$0x0];
	_ =	sdelay $0x2  }
0x36: {  	s31 =	sshll.u32 s1, $0xD;
	s1 =	sshrl.u32 s1, $0x2  }
0x37: {  	s3 =	sand.u32 $0x4000, s31;
	s1 =	sadd.s32 s1, s30  }
0x38: {  	s0 =	sor.u32 s3, s0;
	s1 =	sshll.u32 s1, $0x11  }
0x39: {  	s0 =	sor.u32 s1, s0  }
0x3a: {  	s0 =	sadd.s32 $0x8F2B, s0  }
0x3b: {  	[sflag:s0] =	ssyncadd.remote.s32 $0x1  }
0x3c: {  	_ =	sfence.sel $0xFFFF  }
0x3d: {  	[dreg:$0x0] =	wrdreg $0xFFFFFFFF;
	(pc) =	sbr.abs _section_cstart, $3  }
0x3e: {  	[dreg:$0x1] =	wrdreg $0xFFFFFFFF  }
0x3f: {  	_ =	task.clear_ibuf [dreg:s8], $0x2FFFF;
	_ =	strace $0x9FFFFFFF  }
0x40: {  	(tm) =	ssettm $0x7FFFFFFF  }
0x41: {  	_ =	shalt  }
tec
execute0_lowered:
.L_overlay_start_1:
0x0: {  	(tag) =	ssettag $0x1  }
0x1: {  	s0 =	srdreg.scid  }
0x2: {  	s1 =	sshll.u32 s0, $0x4  }
0x3: {  	s2 =	rddreg [dreg:$0x0];
	s0 =	stileid.u32;
	s1 =	sand.u32 $0x10, s1  }
0x4: {  	s4 =	rddreg [dreg:$0x1];
	s1 =	sor.u32 s0, s1  }
0x5: {  	s7 =	simm.s32 $0x1;
	s8 =	simm.s32 $0x2;
	s3 =	sshll.u32 s1, $0x6  }
0x6: {  	s9 =	simm.s32 $0x0;
	s12 =	simm.s32 $0x0;
	s6 =	ssub.s32 $0x27100, s3  }
.Ltmp0:
0x7: {  	s11 =	simm.s32 $0x0;
	s5 =	sand.u32 $0x7C0, s6;
	(pc) =	sbr.rel .LBB1_1-.Ltmp0, $4  }
0x8: {  	s1 =	rddreg [dreg:$0x2];
	_ =	strace $0x80000047;
	p0 =	sne.s32 s5, $0x0  }
0x9: {  	s6 =	sshrl.u32 s6, $0xB;
	s5 =	simm.s32 $0x1;
	s7 =	simm.s32 @!p0 $0x0  }
0xa: {  	s10 =	smov.u32 s3;
	[sflag:s5] =	ssyncpa.u1 $0x0;
	s6 =	sadd.s32 s7, s6  }
0xb: {  	[sflag:s8] =	ssyncpa.u1 $0x0;
	s8 =	simm.s32 $0x0;
	s7 =	sadd.s32 $0x1, s6  }
.LBB1_4:
0xc: {  	_ =	sdelay $0x3  }
0xd: {  	[tilespmem:v0+s15+$0x420 ss:$0x1] =	vst.idx.msk $0xffff, v4  }
0xe: {  	[tilespmem:v0+s15+$0x430 ss:$0x1] =	vst.idx.msk $0xffff, v7  }
0xf: {  	[tilespmem:v0+s15+$0x440 ss:$0x1] =	vst.idx.msk $0xffff, v3;
	v57 =	vld [tilespmem:s14+$0x10]  }
0x10: {  	s16 =	sadd.s32 $0x80, s16;
	[tilespmem:s17+$0x0] =	vst v5;
	v58 =	vld [tilespmem:s14+$0x20]  }
0x11: {  	s18 =	sand.u32 $0x3800, s19;
	[tilespmem:v0+s15+$0x450 ss:$0x1] =	vst.idx.msk $0xffff, v2;
	v59 =	vld [tilespmem:s14+$0x30];
	s25 =	sand.u32 $0x380, s16  }
0x12: {  	[tilespmem:v0+s15+$0x460 ss:$0x1] =	vst.idx.msk $0xffff, v1;
	v60 =	vld [tilespmem:s14+$0x40];
	s18 =	sor.u32 s25, s18  }
0x13: {  	v62 =	vld [tilespmem:s14+$0x50];
	[tilespmem:v0+s18+$0x470 ss:$0x1] =	vst.idx.msk $0xffff, v6  }
0x14: {  	v63 =	vld [tilespmem:s14+$0x60];
	[tilespmem:v0+s18+$0x410 ss:$0x1] =	vst.idx.msk $0xffff, v57  }
0x15: {  	v49 =	vld [tilespmem:s14+$0xFFFFFF90];
	[tilespmem:v0+s18+$0x420 ss:$0x1] =	vst.idx.msk $0xffff, v58  }
0x16: {  	v50 =	vld [tilespmem:s14+$0xFFFFFFA0];
	s27 =	sshll.u32 s12, $0x8;
	s26 =	sand.u32 $0x3B00, s18;
	[tilespmem:v0+s18+$0x430 ss:$0x1] =	vst.idx.msk $0xffff, v59  }
0x17: {  	v51 =	vld [tilespmem:s14+$0xFFFFFFB0];
	s28 =	sshll.u32 s12, $0x7;
	s16 =	sand.u32 $0x80, s16;
	s17 =	sadd.s32 s26, s13;
	[tilespmem:v0+s18+$0x440 ss:$0x1] =	vst.idx.msk $0xffff, v60  }
0x18: {  	v52 =	vld [tilespmem:s14+$0xFFFFFFC0];
	s15 =	sand.u32 $0xFFFFF800, s27;
	s16 =	sadd.s32 s16, s17;
	s17 =	sand.u32 $0x300, s28;
	[tilespmem:v0+s18+$0x450 ss:$0x1] =	vst.idx.msk $0xffff, v62  }
0x19: {  	v53 =	vld [tilespmem:s14+$0xFFFFFFD0];
	[tilespmem:v0+s18+$0x460 ss:$0x1] =	vst.idx.msk $0xffff, v63;
	s15 =	sor.u32 s17, s15  }
0x1a: {  	v54 =	vld [tilespmem:s14+$0xFFFFFFE0];
	[tilespmem:s16+$0x10] =	vst v49;
	s15 =	sshrl.u32 s15, $0x8  }
0x1b: {  	v55 =	vld [tilespmem:s14+$0xFFFFFFF0];
	[tilespmem:s16+$0x20] =	vst v50;
	s29 =	smulhi.u32 $0x1A36E3, s15  }
0x1c: {  	v56 =	vld [tilespmem:s14+$0x0];
	[tilespmem:s16+$0x30] =	vst v51  }
0x1d: {  	v61 =	vld [tilespmem:s14+$0xFFFFFF80];
	[tilespmem:s16+$0x40] =	vst v52;
	s30 =	sshrl.u32 s29, $0x6  }
0x1e: {  	[tilespmem:s16+$0x50] =	vst v53;
	s14 =	smul.u32 $0x27100, s30  }
0x1f: {  	s31 =	sshll.u32 s12, $0x4;
	[tilespmem:s16+$0x60] =	vst v54  }
0x20: {  	s12 =	sand.u32 $0x10, s31;
	[tilespmem:s16+$0x70] =	vst v55;
	s14 =	ssub.s32 s15, s14  }
0x21: {  	s12 =	sadd.s32 s4, s12;
	[tilespmem:s16+$0x400] =	vst v56;
	s14 =	sshll.u32 s14, $0x5  }
0x22: {  	[tilespmem:s16+$0x0] =	vst v61;
	s12 =	sadd.s32 s14, s12  }
0x23: {  	[hbm4b:s12+s8] =	stream.linear.scatter [tilespmem:s13], [sflag:$0x2], $0x4000, $0x38;
	[tilespmem:$0x10000] =	vst v63  }
.LBB1_5:
0x24: {  	s14 =	sadd.s32 $0x800, s10  }
0x25: {  	p1 =	sgt.s32 s14, $0x270FF  }
0x26: {  	s14 =	smov.u32 @p1 s3;
	p1 =	sne.s32 s11, s7  }
.Ltmp1:
0x27: {  	p0 =	slt.u32 s11, $0x2;
	(pc) =	sbr.rel @!p1 .LBB1_6-.Ltmp1, $4  }
0x28: {  	s13 =	simm.s32 @!p0 $0x2  }
0x29: {  	s15 =	sadd.s32 $0x1, s11;
	_ =	swait.ge @!p0 [sflag:s13], $0x4000  }
0x2a: {  	s12 =	smov.u32 s10;
	s9 =	sadd.s32 $0x4000, s9;
	[sflag:s13] =	ssyncset.done @!p0 $0x0  }
0x2b: {  	s11 =	smov.u32 s15;
	s10 =	smov.u32 s14;
	[sflag:s13] =	ssyncadd.s32 @!p0 $0xFFFFC000  }
.LBB1_1:
0x2c: {  	p0 =	sge.u32 s11, s6  }
0x2d: {  	s13 =	sxor.u32 @!p0 $0xFFFFFFFF, s11  }
0x2e: {  	s31 =	sadd.s32 $0xFFFFFFFF, s11;
	s14 =	sshll.u32 @!p0 s10, $0x5;
	s13 =	sshll.u32 @!p0 s13, $0xE  }
0x2f: {  	s15 =	simm.s32 @!p0 $0x0;
	s14 =	sadd.s32 @!p0 s2, s14;
	s13 =	sand.u32 @!p0 $0x4000, s13  }
0x30: {  	[tilespmem:s13], [sflag:$0x1] =	stream.linear.gather @!p0 [hbm4b:s14+s15], $0x4000, $0x38;
	[tilespmem:$0x10000] =	vst v63  }
0x31: {  	p0 =	sge.u32 s31, s6  }
.Ltmp2:
0x32: {  	_ = 	snop;
	(pc) =	sbr.rel @p0 .LBB1_5-.Ltmp2, $1  }
0x33: {  	_ =	sdelay $0x3  }
0x34: {  	_ =	swait.ge [sflag:s5], $0x4000  }
0x35: {  	s13 =	sand.u32 $0x4000, s9;
	[sflag:s5] =	ssyncset.done $0x0  }
0x36: {  	s31 =	sshll.u32 s11, $0xE;
	s14 =	sor.u32 $0x80, s13;
	[sflag:s5] =	ssyncadd.s32 $0xFFFFC000  }
0x37: {  	s13 =	sand.u32 $0x4000, s31;
	v1 =	vld [tilespmem:s14+$0x70]  }
0x38: {  	s13 =	sor.u32 $0x8000, s13;
	v2 =	vld [tilespmem:s14+$0xFFFFFF90]  }
0x39: {  	s16 =	simm.s32 $0x0;
	v0 =	vmov s13;
	v3 =	vld [tilespmem:s14+$0xFFFFFFA0]  }
0x3a: {  	s15 =	sand.u32 $0x3800, s16;
	s17 =	sand.u32 $0x380, s16;
	v4 =	vld [tilespmem:s14+$0xFFFFFFB0]  }
0x3b: {  	s15 =	sor.u32 s17, s15;
	v5 =	vld [tilespmem:s14+$0xFFFFFFC0]  }
0x3c: {  	s17 =	sand.u32 $0x3B00, s15;
	v6 =	vld [tilespmem:s14+$0xFFFFFFD0]  }
0x3d: {  	s18 =	sand.u32 $0x80, s16;
	v8 =	vld [tilespmem:s14+$0xFFFFFFE0];
	s17 =	sadd.s32 s17, s13  }
0x3e: {  	v9 =	vld [tilespmem:s14+$0x0];
	s17 =	sadd.s32 s18, s17;
	[tilespmem:v0+s15+$0x470 ss:$0x1] =	vst.idx.msk $0xffff, v1  }
0x3f: {  	v10 =	vld [tilespmem:s14+$0x10];
	[tilespmem:s17+$0x10] =	vst v2  }
0x40: {  	v7 =	vld [tilespmem:s14+$0x30];
	[tilespmem:s17+$0x20] =	vst v3  }
0x41: {  	v1 =	vld [tilespmem:s14+$0xFFFFFFF0];
	[tilespmem:s17+$0x30] =	vst v4  }
0x42: {  	v4 =	vld [tilespmem:s14+$0x20];
	[tilespmem:s17+$0x40] =	vst v5  }
0x43: {  	[tilespmem:s17+$0x50] =	vst v6;
	v3 =	vld [tilespmem:s14+$0x40]  }
0x44: {  	[tilespmem:s17+$0x60] =	vst v8;
	v2 =	vld [tilespmem:s14+$0x50]  }
0x45: {  	v5 =	vld [tilespmem:s14+$0xFFFFFF80];
	[tilespmem:s17+$0x400] =	vst v9  }
0x46: {  	[tilespmem:s17+$0x70] =	vst v1;
	v1 =	vld [tilespmem:s14+$0x60];
	s14 =	sadd.s32 $0x100, s14  }
0x47: {  	s19 =	simm.s32 $0x100;
	s18 =	simm.s32 $0x200;
	[tilespmem:v0+s15+$0x410 ss:$0x1] =	vst.idx.msk $0xffff, v10;
	v6 =	vld [tilespmem:s14+$0x70]  }
.LBB1_3:
0x48: {  	p0 =	sne.s32 s18, $0x3F00;
	v8 =	vld [tilespmem:s14+$0xFFFFFF90];
	[tilespmem:v0+s15+$0x420 ss:$0x1] =	vst.idx.msk $0xffff, v4  }
0x49: {  	s16 =	sadd.s32 $0x80, s16;
	v4 =	vld [tilespmem:s14+$0xFFFFFFA0];
	[tilespmem:v0+s15+$0x430 ss:$0x1] =	vst.idx.msk $0xffff, v7  }
0x4a: {  	s19 =	sand.u32 $0x3800, s19;
	s20 =	sand.u32 $0x380, s16;
	s21 =	sand.u32 $0x80, s16;
	v7 =	vld [tilespmem:s14+$0xFFFFFFB0];
	[tilespmem:v0+s15+$0x440 ss:$0x1] =	vst.idx.msk $0xffff, v3  }
0x4b: {  	s20 =	sor.u32 s20, s19;
	s19 =	smov.u32 s18;
	v3 =	vld [tilespmem:s14+$0xFFFFFFC0];
	[tilespmem:s17+$0x0] =	vst v5  }
0x4c: {  	s17 =	sand.u32 $0x3B00, s20;
	v5 =	vld [tilespmem:s14+$0xFFFFFFD0];
	[tilespmem:v0+s20+$0x470 ss:$0x1] =	vst.idx.msk $0xffff, v6  }
0x4d: {  	s17 =	sadd.s32 s17, s13;
	v6 =	vld [tilespmem:s14+$0xFFFFFFE0];
	[tilespmem:v0+s15+$0x450 ss:$0x1] =	vst.idx.msk $0xffff, v2  }
0x4e: {  	s17 =	sadd.s32 s21, s17;
	v9 =	vld [tilespmem:s14+$0xFFFFFFF0];
	[tilespmem:v0+s15+$0x460 ss:$0x1] =	vst.idx.msk $0xffff, v1;
	s15 =	smov.u32 s20  }
0x4f: {  	[tilespmem:s17+$0x10] =	vst v8;
	v8 =	vld [tilespmem:s14+$0x0]  }
0x50: {  	[tilespmem:s17+$0x20] =	vst v4;
	v10 =	vld [tilespmem:s14+$0x10]  }
0x51: {  	[tilespmem:s17+$0x30] =	vst v7;
	v4 =	vld [tilespmem:s14+$0x20]  }
0x52: {  	[tilespmem:s17+$0x40] =	vst v3;
	v7 =	vld [tilespmem:s14+$0x30]  }
.Ltmp3:
0x53: {  	[tilespmem:s17+$0x50] =	vst v5;
	v3 =	vld [tilespmem:s14+$0x40];
	(pc) =	sbr.rel @p0 .LBB1_3-.Ltmp3, $4  }
0x54: {  	[tilespmem:s17+$0x60] =	vst v6;
	v2 =	vld [tilespmem:s14+$0x50]  }
0x55: {  	[tilespmem:s17+$0x70] =	vst v9;
	v1 =	vld [tilespmem:s14+$0x60]  }
0x56: {  	v5 =	vld [tilespmem:s14+$0xFFFFFF80];
	[tilespmem:s17+$0x400] =	vst v8;
	s14 =	sadd.s32 $0x100, s14  }
0x57: {  	s18 =	sadd.s32 $0x100, s18;
	v6 =	vld [tilespmem:s14+$0x70];
	[tilespmem:v0+s15+$0x410 ss:$0x1] =	vst.idx.msk $0xffff, v10  }
.Ltmp4:
0x58: {  	_ = 	snop;
	(pc) =	sbr.rel .LBB1_4-.Ltmp4, $1  }
0x59: {  	_ =	sdelay $0x3  }
.LBB1_6:
0x5a: {  	_ =	sfence.sel $0x180000  }
0x5b: {  	s2 =	simm.s32 $0x1;
	[bflag:$0x0] =	sbarrier.arrive $0xFFFF  }
0x5c: {  	s31 =	simm.s32 $0x2;
	[sflag:s2] =	ssyncpa.u1 $0x1  }
0x5d: {  	[sflag:s31] =	ssyncpa.u1 $0x1  }
0x5e: {  	p0 =	sne.s32 s0, $0x0;
	_ =	strace $0x90000047  }
0x5f: {  	s0 =	sadd.s32 @!p0 $0x100000, s1;
	[bflag:$0x2] =	sbarrier.arrive $0xFFFF  }
0x60: {  	[sflag:s0] =	ssyncadd.tile.s32 @!p0 $0x1;
	_ =	shalt  }
.Lfunc_end1:
_tile_overlayer_lowered:
.L_overlay_start_2:
0x61: {  	(tag) =	ssettag $0x2  }
0x62: {  	s0 =	rddreg [dreg:$0x0];
	s2 =	stileid.u32  }
0x63: {  	s1 =	rddreg [dreg:$0x1];
	p0 =	sne.s32 s2, $0x0  }
0x64: {  	s3 =	rddreg [dreg:$0x2];
	[bflag:$0x3] =	sbarrier.arrive $0xFFFF;
	s2 =	simm.s32 @!p0 $0x1C01  }
0x65: {  	[timem:s3], [sflag:s2] =	dma.local @!p0 [hbm:s0], s1  }
0x66: {  	s0 =	simm.s32 @!p0 $0x1  }
0x67: {  	_ =	swait.ge @!p0 [sflag:s0], s1  }
0x68: {  	s1 =	ssub.s32 @!p0 $0x0, s1;
	[sflag:s0] =	ssyncset.done @!p0 $0x0  }
0x69: {  	[sflag:s0] =	ssyncadd.s32 @!p0 s1  }
0x6a: {  	[bflag:$0x3] =	sbarrier.arrive $0xFFFF  }
0x6b: {  	_ =	shalt  }

// kernel: sparse-core-data-format-call.cloned.1.call-start
scs
called_computation_lowered:
.L_overlay_start_0:
0x0: {  	s2 =	sld [smem:$0x3FD9]  }
0x1: {  	s3 =	sld [smem:$0x3FFE];
	_ =	sdelay $0x1  }
0x2: {  	s1 =	srdreg.scid  }
0x3: {  	s0 =	sand.u32 $0x1, s1  }
0x4: {  	s15 =	sshll.u32 s0, $0xA;
	s2 =	sadd.s32 s3, s2  }
0x5: {  	s2 =	sadd.s32 s2, s15  }
0x6: {  	[smem:$0x3FC1] =	sst s2  }
0x7: {  	_ = 	snop  }
0x8: {  	s2 =	sld [smem:$0x3FD0];
	_ =	sdelay $0x2  }
0x9: {  	s16 =	simm.s32 $0xA;
	s4 =	simm.s32 $0x10  }
0xa: {  	[smem:s4], [sflag:s16] =	dma.local [hbm:s2], $0x1  }
0xb: {  	_ =	swait.eq [sflag:s16], $0x1  }
0xc: {  	[sflag:s16] =	ssyncset.done $0x0  }
0xd: {  	[sflag:s16] =	ssyncadd.s32 $0xFFFFFFFF  }
0xe: {  	s17 =	sld [smem:$0x11];
	(tm) =	ssettm $0x1  }
0xf: {  	s18 =	sld [smem:$0x3FFB];
	_ =	sdelay $0x3  }
0x10: {  	_ =	strace s18  }
0x11: {  	s3 =	sld [smem:$0x3FFC];
	_ =	sdelay $0x3  }
0x12: {  	_ =	strace s3  }
0x13: {  	s3 =	sld [smem:$0x3FFD];
	_ =	sdelay $0x3  }
0x14: {  	_ =	strace s3  }
0x15: {  	_ =	strace $0x8FFFFFFF  }
0x16: {  	s19 =	sld [smem:$0x3FDB];
	_ =	sdelay $0x1  }
0x17: {  	s20 =	simm.s32 $_scs_section_size  }
0x18: {  	s5 =	simm.s32 $_size__tile_overlayer_lowered;
	s6 =	simm.s32 $_tile_overlayer_lowered  }
0x19: {  	s23 =	simm.s32 $0x1BFF;
	s22 =	sshll.u32 s6, $0x1;
	s3 =	sadd.s32 s20, s19  }
0x1a: {  	s7 =	simm.s32 $0x0;
	s21 =	sshll.u32 s5, $0x1;
	s5 =	sadd.s32 s22, s3  }
0x1b: {  	[timem:s7], [sflag:s23] =	dma.local [hbm:s5], s21  }
0x1c: {  	_ =	swait.ge [sflag:s23], s21  }
0x1d: {  	s4 =	ssub.s32 $0x0, s21;
	[sflag:s23] =	ssyncset.done $0x0  }
0x1e: {  	[sflag:s23] =	ssyncadd.s32 s4;
	_ =	sdelay $0x1  }
0x1f: {  	s24 =	simm.s32 $0x1B8B  }
0x20: {  	_ =	swait.ge [sflag:s24], $0x1  }
0x21: {  	[sflag:s24] =	ssyncset.done $0x0  }
0x22: {  	s26 =	simm.s32 $0x1B8E;
	s25 =	sld [smem:$0x3FFE];
	[sflag:s24] =	ssyncadd.s32 $0xFFFFFFFF  }
0x23: {  	s27 =	simm.s32 $execute0_lowered;
	[smem:$0x3FD2] =	sst s26  }
0x24: {  	s5 =	sshll.u32 s27, $0x1;
	_ =	strace $0x8000004C;
	[dreg:$0x1] =	wrdreg $0xFFFFFFFF  }
0x25: {  	s28 =	simm.s32 $_size_execute0_lowered;
	s3 =	sadd.s32 s3, s5;
	[dreg:$0x0] =	wrdreg $0x0  }
0x26: {  	s5 =	sshll.u32 s28, $0x1;
	[dreg:$0x2] =	wrdreg s3  }
0x27: {  	[dreg:$0x3] =	wrdreg s5  }
0x28: {  	[dreg:$0x4] =	wrdreg $0xC0  }
0x29: {  	_ =	task [dreg:s7], $0x5FFFF  }
0x2a: {  	[dreg:$0x1] =	wrdreg $0xFFFFFFFF  }
0x2b: {  	[dreg:$0x0] =	wrdreg $0x60  }
0x2c: {  	[dreg:$0x2] =	wrdreg s25  }
0x2d: {  	[dreg:$0x3] =	wrdreg s17  }
0x2e: {  	[dreg:$0x4] =	wrdreg $0x9  }
0x2f: {  	_ =	task.clear_ibuf [dreg:s7], $0x5FFFF;
	_ =	strace $0x9000004C  }
0x30: {  	s29 =	simm.s32 $0x9;
	_ =	strace $0x8000004E  }
0x31: {  	_ =	swait.ge [sflag:s29], $0x1  }
0x32: {  	[sflag:s29] =	ssyncadd.s32 $0xFFFFFFFF  }
0x33: {  	_ =	strace $0x9000004E  }
0x34: {  	_ =	sfence  }
0x35: {  	s30 =	sld [smem:$0x0];
	_ =	sdelay $0x2  }
0x36: {  	s31 =	sshll.u32 s1, $0xD;
	s1 =	sshrl.u32 s1, $0x2  }
0x37: {  	s3 =	sand.u32 $0x4000, s31;
	s1 =	sadd.s32 s1, s30  }
0x38: {  	s0 =	sor.u32 s3, s0;
	s1 =	sshll.u32 s1, $0x11  }
0x39: {  	s0 =	sor.u32 s1, s0  }
0x3a: {  	s0 =	sadd.s32 $0x8F2B, s0  }
0x3b: {  	[sflag:s0] =	ssyncadd.remote.s32 $0x1  }
0x3c: {  	_ =	sfence.sel $0xFFFF  }
0x3d: {  	[dreg:$0x0] =	wrdreg $0xFFFFFFFF;
	(pc) =	sbr.abs _section_cstart, $3  }
0x3e: {  	[dreg:$0x1] =	wrdreg $0xFFFFFFFF  }
0x3f: {  	_ =	task.clear_ibuf [dreg:s7], $0x2FFFF;
	_ =	strace $0x9FFFFFFF  }
0x40: {  	(tm) =	ssettm $0x7FFFFFFF  }
0x41: {  	_ =	shalt  }
tec
execute0_lowered:
.L_overlay_start_1:
0x0: {  	(tag) =	ssettag $0x1  }
0x1: {  	s0 =	stileid.u32;
	s1 =	srdreg.scid  }
0x2: {  	s2 =	sshll.u32 s0, $0x6;
	s1 =	sshll.u32 s1, $0xA  }
0x3: {  	s3 =	sshll.u32 s0, $0x7;
	s2 =	sor.u32 s2, s1  }
0x4: {  	s7 =	rddreg [dreg:$0x0];
	s1 =	sand.u32 $0x80, s3;
	s2 =	sand.u32 $0x780, s2  }
0x5: {  	s8 =	simm.s32 $0x2;
	s3 =	ssub.s32 $0x100, s1;
	s4 =	ssub.s32 $0x27100, s2  }
0x6: {  	s16 =	simm.s32 $0x0;
	s5 =	sshrl.u32 s3, $0x8;
	s6 =	sand.u32 $0x780, s4  }
0x7: {  	s3 =	sshrl.u32 s3, $0x7;
	p0 =	sne.s32 s6, $0x0;
	s6 =	simm.s32 $0x1  }
0x8: {  	s3 =	sand.u32 $0x1, s3;
	s4 =	sshrl.u32 s4, $0xB;
	s6 =	simm.s32 @!p0 $0x0  }
0x9: {  	s9 =	simm.s32 $0x800;
	s3 =	sadd.s32 s5, s3;
	s31 =	sadd.s32 s6, s4  }
0xa: {  	s14 =	simm.s32 $0x0;
	s15 =	simm.s32 $0x0;
	s6 =	smul.u32 s31, s3  }
.Ltmp0:
0xb: {  	s12 =	simm.s32 $0x0;
	s13 =	simm.s32 $0x0;
	(pc) =	sbr.rel .LBB1_1-.Ltmp0, $4  }
0xc: {  	s7 =	sadd.s32 $0x1118800, s7;
	s5 =	simm.s32 $0x1;
	s4 =	rddreg [dreg:$0x1]  }
0xd: {  	s3 =	rddreg [dreg:$0x2];
	_ =	strace $0x8000004D;
	s6 =	smul.u32 $0x3, s6  }
0xe: {  	s11 =	smov.u32 s1;
	s10 =	smov.u32 s2;
	[sflag:s5] =	ssyncpa.u1 $0x0  }
0xf: {  	p0 =	por $0x0, $0x0;
	[sflag:s8] =	ssyncpa.u1 $0x0;
	s8 =	sadd.s32 $0x1, s6  }
.LBB1_4:
0x10: {  	s22 =	sshll.u32 s16, $0x8;
	s23 =	sshll.u32 s14, $0x3  }
0x11: {  	s27 =	sshll.u32 s16, $0x7;
	v5 =	vld [tilespmem:s20+$0xFFFFFFD0];
	[tilespmem:s19+$0x2040 ss:$0x81] =	vst.msk $0xffff, v4;
	s22 =	sand.u32 $0xFFFFF800, s22;
	s23 =	sand.u32 $0xFFFFFC00, s23  }
0x12: {  	v58 =	vld [tilespmem:s20+$0xFFFFFFE0];
	[tilespmem:s19+$0x2850 ss:$0x81] =	vst.msk $0xffff, v2;
	s28 =	sand.u32 $0x300, s27;
	s22 =	sadd.s32 s23, s22  }
0x13: {  	s21 =	sshra.s32 s21, $0x2;
	v59 =	vld [tilespmem:s20+$0xFFFFFFF0];
	[tilespmem:s19+$0x3060 ss:$0x81] =	vst.msk $0xffff, v3;
	s22 =	sor.u32 s28, s22  }
0x14: {  	v60 =	vld [tilespmem:s20+$0x0];
	[tilespmem:s19+$0x0 ss:$0x81] =	vst.msk $0xffff, v0;
	s18 =	sadd.s32 s21, s18;
	s22 =	sshrl.u32 s22, $0x8  }
0x15: {  	v61 =	vld [tilespmem:s20+$0x10];
	[tilespmem:s18+$0x3870 ss:$0x81] =	vst.msk $0xffff, v1;
	s29 =	smulhi.u32 $0x1A36E3, s22  }
0x16: {  	v62 =	vld [tilespmem:s20+$0x20];
	[tilespmem:s18+$0x810 ss:$0x81] =	vst.msk $0xffff, v5  }
0x17: {  	v63 =	vld [tilespmem:s20+$0xFFFFFFC0];
	s15 =	smul.u32 $0x4E2000, s15;
	[tilespmem:s18+$0x1020 ss:$0x81] =	vst.msk $0xffff, v58;
	s19 =	sshrl.u32 s29, $0x6  }
0x18: {  	s30 =	sand.u32 $0x78, s14;
	s16 =	sand.u32 $0x80, s27;
	[tilespmem:s18+$0x1830 ss:$0x81] =	vst.msk $0xffff, v59;
	s19 =	smul.u32 $0x27100, s19  }
0x19: {  	s31 =	sand.u32 $0x7, s14;
	s16 =	sor.u32 s30, s16;
	[tilespmem:s18+$0x2040 ss:$0x81] =	vst.msk $0xffff, v60  }
0x1a: {  	s15 =	sadd.s32 s4, s15;
	s16 =	sshrl.u32 s16, $0x3;
	[tilespmem:s18+$0x2850 ss:$0x81] =	vst.msk $0xffff, v61;
	s19 =	ssub.s32 s22, s19  }
0x1b: {  	s14 =	sshll.u32 s31, $0x12;
	s15 =	sadd.s32 s16, s15;
	[tilespmem:s18+$0x3060 ss:$0x81] =	vst.msk $0xffff, v62;
	s19 =	sshll.u32 s19, $0x5  }
0x1c: {  	s14 =	sor.u32 $0x400, s14;
	[tilespmem:s18+$0x0 ss:$0x81] =	vst.msk $0xffff, v63;
	s15 =	sadd.s32 s19, s15  }
0x1d: {  	[hbm4b:s15+s14] =	stream.strided.scatter [tilespmem:s17], [sflag:$0x2], $0x4000, s9, s14, $0x20;
	[tilespmem:$0x10100] =	vst v63  }
.LBB1_5:
0x1e: {  	s17 =	sadd.s32 $0x800, s10  }
0x1f: {  	s14 =	sadd.s32 $0x100, s11;
	s18 =	smov.u32 s11;
	p2 =	sgt.s32 s17, $0x270FF  }
0x20: {  	s18 =	smov.u32 @p2 s14  }
0x21: {  	s14 =	simm.s32 $0x1;
	p3 =	sgt.s32 s18, $0xFF  }
0x22: {  	s14 =	simm.s32 @!p3 $0x0  }
0x23: {  	s20 =	sadd.s32 s14, s12  }
0x24: {  	s17 =	smov.u32 @p2 s2;
	p2 =	sgt.s32 s20, $0x2  }
0x25: {  	p1 =	slt.u32 s13, $0x2;
	s20 =	simm.s32 @p2 $0x0;
	p2 =	sne.s32 s13, s8  }
.Ltmp1:
0x26: {  	s19 =	simm.s32 @!p1 $0x2;
	(pc) =	sbr.rel @!p2 .LBB1_6-.Ltmp1, $4  }
0x27: {  	s16 =	smov.u32 s10;
	s15 =	smov.u32 s12;
	_ =	swait.ge @!p1 [sflag:s19], $0x4000  }
0x28: {  	p0 =	por !p0, !p0;
	[sflag:s19] =	ssyncset.done @!p1 $0x0;
	s10 =	smov.u32 s17  }
0x29: {  	s18 =	smov.u32 @p3 s1;
	[sflag:s19] =	ssyncadd.s32 @!p1 $0xFFFFC000;
	s14 =	smov.u32 s11  }
0x2a: {  	s11 =	smov.u32 s18;
	s13 =	sadd.s32 $0x1, s13;
	s12 =	smov.u32 s20  }
.LBB1_1:
0x2b: {  	p1 =	sge.u32 s13, s6  }
0x2c: {  	s17 =	sshrl.u32 @!p1 s11, $0x3  }
0x2d: {  	s18 =	sshll.u32 @!p1 s10, $0x3;
	s17 =	smul.u32 @!p1 $0x138800, s17  }
0x2e: {  	s19 =	sshll.u32 @!p1 s11, $0x7;
	s18 =	sand.u32 @!p1 $0xFFFFFC00, s18  }
0x2f: {  	s17 =	sadd.s32 @!p1 s17, s18;
	s18 =	sand.u32 @!p1 $0x380, s19  }
0x30: {  	s19 =	sand.u32 @!p1 $0x7F, s10;
	s17 =	sor.u32 @!p1 s18, s17  }
0x31: {  	s18 =	sor.u32 @!p1 s19, s17  }
0x32: {  	s19 =	smulhi.u32 @!p1 $0xD1B71759, s18  }
0x33: {  	s17 =	smulhi.u32 @!p1 $0xD1B71759, s17  }
0x34: {  	s19 =	sshrl.u32 @!p1 s19, $0x11  }
0x35: {  	s31 =	sadd.s32 $0xFFFFFFFF, s13;
	s17 =	sshrl.u32 @!p1 s17, $0x11;
	s19 =	smul.u32 @!p1 $0x27100, s19  }
0x36: {  	s20 =	sxor.u32 @!p1 $0xFFFFFFFF, s13;
	s21 =	smul.u32 @!p1 $0x4E2000, s12;
	s17 =	sand.u32 @!p1 $0xFF, s17  }
0x37: {  	s20 =	sshll.u32 @!p1 s20, $0xE;
	s17 =	smul.u32 @!p1 $0x4E20, s17;
	s18 =	ssub.s32 @!p1 s18, s19  }
0x38: {  	s19 =	sand.u32 @!p1 $0x4000, s20;
	s20 =	sadd.s32 @!p1 s7, s21;
	s21 =	sand.u32 @!p1 $0x7, s18  }
0x39: {  	s18 =	sshrl.u32 @!p1 s18, $0x3;
	s17 =	sadd.s32 @!p1 s17, s20;
	s20 =	sshll.u32 @!p1 s21, $0x12  }
0x3a: {  	s17 =	sadd.s32 @!p1 s18, s17;
	s18 =	sor.u32 @!p1 $0x400, s20;
	s20 =	simm.s32 @!p1 $0x138800  }
0x3b: {  	[tilespmem:s19], [sflag:$0x1] =	stream.strided.gather @!p1 [hbm4b:s17+s18], $0x4000, s20, s18, $0x38;
	[tilespmem:$0x10100] =	vst v63  }
0x3c: {  	p1 =	sge.u32 s31, s6  }
.Ltmp2:
0x3d: {  	_ = 	snop;
	(pc) =	sbr.rel @p1 .LBB1_5-.Ltmp2, $1  }
0x3e: {  	_ =	sdelay $0x3  }
0x3f: {  	s17 =	simm.s32 $0x1  }
0x40: {  	_ =	swait.ge [sflag:s5], $0x4000;
	s17 =	simm.s32 @!p0 $0x0  }
0x41: {  	[sflag:s5] =	ssyncset.done $0x0;
	s18 =	sshll.u32 s17, $0xE  }
0x42: {  	[sflag:s5] =	ssyncadd.s32 $0xFFFFC000;
	s20 =	sor.u32 $0x40, s18  }
0x43: {  	s17 =	smul.u32 $0x10200, s17;
	v0 =	vld [tilespmem:s20+$0x30]  }
0x44: {  	v1 =	vld [tilespmem:s20+$0xFFFFFFD0]  }
0x45: {  	s17 =	sshrl.u32 s17, $0x2;
	v5 =	vld [tilespmem:s20+$0xFFFFFFE0]  }
0x46: {  	v6 =	vld [tilespmem:s20+$0xFFFFFFF0];
	s18 =	sor.u32 $0x8000, s17  }
0x47: {  	s31 =	sand.u32 $0x1, s13;
	v4 =	vld [tilespmem:s20+$0x0];
	s19 =	sadd.s32 $0x0, s18  }
0x48: {  	v2 =	vld [tilespmem:s20+$0x10];
	s17 =	smul.u32 $0x10200, s31;
	[tilespmem:s19+$0x3870 ss:$0x81] =	vst.msk $0xffff, v0  }
0x49: {  	v3 =	vld [tilespmem:s20+$0x20];
	[tilespmem:s19+$0x810 ss:$0x81] =	vst.msk $0xffff, v1  }
0x4a: {  	s17 =	sshrl.u32 s17, $0x2;
	v0 =	vld [tilespmem:s20+$0xFFFFFFC0];
	[tilespmem:s19+$0x1020 ss:$0x81] =	vst.msk $0xffff, v5;
	s20 =	sadd.s32 $0x80, s20  }
0x4b: {  	s21 =	simm.s32 $0x4;
	s22 =	simm.s32 $0x8;
	s17 =	sor.u32 $0x8000, s17;
	[tilespmem:s19+$0x1830 ss:$0x81] =	vst.msk $0xffff, v6;
	v1 =	vld [tilespmem:s20+$0x30]  }
.LBB1_3:
0x4c: {  	p1 =	sne.s32 s22, $0x1FC;
	v5 =	vld [tilespmem:s20+$0xFFFFFFD0];
	[tilespmem:s19+$0x2040 ss:$0x81] =	vst.msk $0xffff, v4  }
0x4d: {  	v6 =	vld [tilespmem:s20+$0xFFFFFFE0];
	[tilespmem:s19+$0x2850 ss:$0x81] =	vst.msk $0xffff, v2  }
0x4e: {  	s23 =	sshra.s32 s21, $0x2;
	s21 =	smov.u32 s22;
	v7 =	vld [tilespmem:s20+$0xFFFFFFF0];
	[tilespmem:s19+$0x3060 ss:$0x81] =	vst.msk $0xffff, v3  }
.Ltmp3:
0x4f: {  	v4 =	vld [tilespmem:s20+$0x0];
	[tilespmem:s19+$0x0 ss:$0x81] =	vst.msk $0xffff, v0;
	s19 =	sadd.s32 s23, s18;
	(pc) =	sbr.rel @p1 .LBB1_3-.Ltmp3, $4  }
0x50: {  	v2 =	vld [tilespmem:s20+$0x10];
	[tilespmem:s19+$0x3870 ss:$0x81] =	vst.msk $0xffff, v1  }
0x51: {  	[tilespmem:s19+$0x810 ss:$0x81] =	vst.msk $0xffff, v5;
	v3 =	vld [tilespmem:s20+$0x20]  }
0x52: {  	v0 =	vld [tilespmem:s20+$0xFFFFFFC0];
	[tilespmem:s19+$0x1020 ss:$0x81] =	vst.msk $0xffff, v6;
	s20 =	sadd.s32 $0x80, s20  }
0x53: {  	s22 =	sadd.s32 $0x4, s22;
	v1 =	vld [tilespmem:s20+$0x30];
	[tilespmem:s19+$0x1830 ss:$0x81] =	vst.msk $0xffff, v7  }
.Ltmp4:
0x54: {  	_ = 	snop;
	(pc) =	sbr.rel .LBB1_4-.Ltmp4, $1  }
0x55: {  	_ =	sdelay $0x3  }
.LBB1_6:
0x56: {  	_ =	sfence.sel $0x180000  }
0x57: {  	s1 =	simm.s32 $0x1;
	[bflag:$0x0] =	sbarrier.arrive $0xFFFF  }
0x58: {  	s31 =	simm.s32 $0x2;
	[sflag:s1] =	ssyncpa.u1 $0x1  }
0x59: {  	[sflag:s31] =	ssyncpa.u1 $0x1  }
0x5a: {  	p0 =	sne.s32 s0, $0x0;
	_ =	strace $0x9000004D  }
0x5b: {  	s0 =	sadd.s32 @!p0 $0x100000, s3;
	[bflag:$0x2] =	sbarrier.arrive $0xFFFF  }
0x5c: {  	[sflag:s0] =	ssyncadd.tile.s32 @!p0 $0x1;
	_ =	shalt  }
.Lfunc_end1:
_tile_overlayer_lowered:
.L_overlay_start_2:
0x5d: {  	(tag) =	ssettag $0x2  }
0x5e: {  	s0 =	rddreg [dreg:$0x0];
	s2 =	stileid.u32  }
0x5f: {  	s1 =	rddreg [dreg:$0x1];
	p0 =	sne.s32 s2, $0x0  }
0x60: {  	s3 =	rddreg [dreg:$0x2];
	[bflag:$0x3] =	sbarrier.arrive $0xFFFF;
	s2 =	simm.s32 @!p0 $0x1C01  }
0x61: {  	[timem:s3], [sflag:s2] =	dma.local @!p0 [hbm:s0], s1  }
0x62: {  	s0 =	simm.s32 @!p0 $0x1  }
0x63: {  	_ =	swait.ge @!p0 [sflag:s0], s1  }
0x64: {  	s1 =	ssub.s32 @!p0 $0x0, s1;
	[sflag:s0] =	ssyncset.done @!p0 $0x0  }
0x65: {  	[sflag:s0] =	ssyncadd.s32 @!p0 s1  }
0x66: {  	[bflag:$0x3] =	sbarrier.arrive $0xFFFF  }
0x67: {  	_ =	shalt  }

</sc_bundles>
